<compile_context>
chip_gen: v7x
topology: tpu7x:2x2x1
jax: 0.10.2.dev20260603
libtpu: 0.0.44.dev20260713+nightly
codegen_flags: <defaults>
</compile_context>

<pallas_src>
import functools

import jax
import jax.numpy as jnp
from jax import lax
from jax.experimental import pallas as pl
from jax.experimental.pallas import tpu as pltpu
from jax.experimental.pallas import tpu_sc as plsc

_V = 100000
_NF = 26
_D = 32
_B = 16384
_EM = _NF * _D
_H1 = 128
_H2 = 64

_NC = 2
_NS = 16
_NW = _NC * _NS
_ROWS = _B * _NF
_BPW = _ROWS // _NW
_CH = 832
_NT = _BPW // _CH


def _make_gather():
    mesh = plsc.VectorSubcoreMesh(core_axis_name="c", subcore_axis_name="s")

    @functools.partial(
        pl.kernel,
        mesh=mesh,
        out_type=jax.ShapeDtypeStruct((_ROWS, _D), jnp.float32),
        scratch_types=[
            pltpu.VMEM((_BPW,), jnp.int32),
            pltpu.VMEM((_CH, _D), jnp.float32),
            pltpu.VMEM((_CH, _D), jnp.float32),
            pltpu.SemaphoreType.DMA,
            pltpu.SemaphoreType.DMA,
        ],
        compiler_params=pltpu.CompilerParams(use_tc_tiling_on_sc=False),
    )
    def gather_k(table_hbm, idx_hbm, out_hbm, idx_v, buf0, buf1, sem0, sem1):
        wid = lax.axis_index("s") * _NC + lax.axis_index("c")
        base = wid * _BPW
        pltpu.sync_copy(idx_hbm.at[pl.ds(base, _BPW)], idx_v)
        bufs = (buf0, buf1)
        sems = (sem0, sem1)
        prev = pltpu.async_copy(table_hbm.at[idx_v.at[pl.ds(0, _CH)]], buf0, sem0)
        for t in range(1, _NT):
            cur = pltpu.async_copy(
                table_hbm.at[idx_v.at[pl.ds(t * _CH, _CH)]], bufs[t % 2], sems[t % 2])
            prev.wait()
            pltpu.sync_copy(bufs[(t - 1) % 2],
                            out_hbm.at[pl.ds(base + (t - 1) * _CH, _CH)])
            prev = cur
        prev.wait()
        pltpu.sync_copy(bufs[(_NT - 1) % 2],
                        out_hbm.at[pl.ds(base + (_NT - 1) * _CH, _CH)])

    return gather_k


_gather_cache = []


def _gather(table_flat, idx):
    if not _gather_cache:
        _gather_cache.append(_make_gather())
    return _gather_cache[0](table_flat, idx)



_Q = _V // 4


def _repack_body(in_ref, eye_ref, out_ref):
    a = in_ref[0]
    eye = eye_ref[...]
    hb = 1000
    for h in range(_Q // hb):
        a4 = jnp.concatenate(
            [a[:, c * _Q + h * hb:c * _Q + (h + 1) * hb] for c in range(4)],
            axis=0)
        bt = lax.dot_general(a4, eye, (((0,), (0,)), ((), ())),
                             preferred_element_type=jnp.float32)
        out_ref[h * hb:(h + 1) * hb, :] = bt


def _make_repack():
    return pl.pallas_call(
        _repack_body,
        grid=(_NF,),
        in_specs=[pl.BlockSpec((1, _D, _V), lambda f: (f, 0, 0)),
                  pl.BlockSpec((128, 128), lambda f: (0, 0))],
        out_specs=pl.BlockSpec((_Q, 128), lambda f: (f, 0)),
        out_shape=jax.ShapeDtypeStruct((_NF * _Q, 128), jnp.float32),
        compiler_params=pltpu.CompilerParams(
            vmem_limit_bytes=128 * 1024 * 1024),
    )


_repack = _make_repack()

_BB = 2048
_NB = _B // _BB


def _mlp_body(emb_ref, w1_ref, b1_ref, g1_ref, be1_ref, w2_ref, b2_ref,
              g2_ref, be2_ref, w3_ref, b3_ref, out_ref, h1_scr, s1_scr, ss1_scr):
    j = pl.program_id(0)
    h1 = jnp.dot(emb_ref[...], w1_ref[...], preferred_element_type=jnp.float32)
    h1 = jnp.maximum(h1 + b1_ref[...], 0.0)
    h1_scr[pl.ds(j * _BB, _BB), :] = h1

    @pl.when(j == 0)
    def _init():
        s1_scr[...] = jnp.zeros_like(s1_scr)
        ss1_scr[...] = jnp.zeros_like(ss1_scr)

    s1_scr[...] += jnp.sum(h1, axis=0, keepdims=True)
    ss1_scr[...] += jnp.sum(h1 * h1, axis=0, keepdims=True)

    @pl.when(j == _NB - 1)
    def _tail():
        inv_b = 1.0 / _B
        mean1 = s1_scr[...] * inv_b
        var1 = ss1_scr[...] * inv_b - mean1 * mean1
        h1n = ((h1_scr[...] - mean1) * lax.rsqrt(var1 + 1e-5)
               * g1_ref[...] + be1_ref[...])
        h2 = jnp.dot(h1n, w2_ref[...], preferred_element_type=jnp.float32)
        h2 = jnp.maximum(h2 + b2_ref[...], 0.0)
        mean2 = jnp.mean(h2, axis=0, keepdims=True)
        var2 = jnp.mean(h2 * h2, axis=0, keepdims=True) - mean2 * mean2
        h2n = (h2 - mean2) * lax.rsqrt(var2 + 1e-5) * g2_ref[...] + be2_ref[...]
        out_ref[...] = (jnp.dot(h2n, w3_ref[...],
                                preferred_element_type=jnp.float32) + b3_ref[...])


def _make_mlp():
    const = lambda j: (0, 0)
    return pl.pallas_call(
        _mlp_body,
        grid=(_NB,),
        in_specs=[
            pl.BlockSpec((_BB, _EM), lambda j: (j, 0)),
            pl.BlockSpec((_EM, _H1), const),
            pl.BlockSpec((1, _H1), const),
            pl.BlockSpec((1, _H1), const),
            pl.BlockSpec((1, _H1), const),
            pl.BlockSpec((_H1, _H2), const),
            pl.BlockSpec((1, _H2), const),
            pl.BlockSpec((1, _H2), const),
            pl.BlockSpec((1, _H2), const),
            pl.BlockSpec((_H2, 1), const),
            pl.BlockSpec((1, 1), const),
        ],
        out_specs=pl.BlockSpec((_B, 1), const),
        out_shape=jax.ShapeDtypeStruct((_B, 1), jnp.float32),
        scratch_shapes=[
            pltpu.VMEM((_B, _H1), jnp.float32),
            pltpu.VMEM((1, _H1), jnp.float32),
            pltpu.VMEM((1, _H1), jnp.float32),
        ],
    )


_mlp = _make_mlp()


def kernel(x, tables, W1, b1, gamma1, beta1, W2, b2, gamma2, beta2, W3, b3):
    tt = jnp.transpose(tables, (0, 2, 1))
    eye = jnp.eye(128, dtype=jnp.float32)
    table_flat = _repack(tt, eye).reshape(_NF * _V, _D)
    xi = x.astype(jnp.int32)
    idx = (jnp.arange(_NF, dtype=jnp.int32)[None, :] * _V
           + (xi % _Q) * 4 + xi // _Q).reshape(-1)
    emb = _gather(table_flat, idx).reshape(_B, _EM)
    out = _mlp(emb, W1,
               b1.reshape(1, _H1), gamma1.reshape(1, _H1), beta1.reshape(1, _H1),
               W2, b2.reshape(1, _H2), gamma2.reshape(1, _H2), beta2.reshape(1, _H2),
               W3, b3.reshape(1, 1))
    return out.reshape(_B)

# --- scband reference (transcript-rebuilt; emitter-appended) ---
"""Pipeline reference for scband-my-model-15659450761857 (READ-ONLY COPY).

The authoritative reference and input builder live on the scoring server;
editing this copy changes nothing except your own understanding.
"""

import jax, jax.numpy as jnp
import numpy as np

V = 100000
NF = 26
D = 32
B = 16384
EM_DIM = NF * D


def setup_inputs(seed: int = 0) -> dict:
    key = jax.random.key(seed)
    ks = jax.random.split(key, 8)
    x = jax.random.randint(ks[0], (B, NF), 0, V, dtype=jnp.int64) if jax.config.jax_enable_x64 else jax.random.randint(ks[0], (B, NF), 0, V, dtype=jnp.int32)
    tables = jax.random.normal(ks[1], (NF, V, D), dtype=jnp.float32) * 0.05
    W1 = jax.random.normal(ks[2], (EM_DIM, 128), dtype=jnp.float32) * 0.02
    b1 = jnp.zeros((128,), dtype=jnp.float32)
    gamma1 = jnp.ones((128,), dtype=jnp.float32)
    beta1 = jnp.zeros((128,), dtype=jnp.float32)
    W2 = jax.random.normal(ks[3], (128, 64), dtype=jnp.float32) * 0.05
    b2 = jnp.zeros((64,), dtype=jnp.float32)
    gamma2 = jnp.ones((64,), dtype=jnp.float32)
    beta2 = jnp.zeros((64,), dtype=jnp.float32)
    W3 = jax.random.normal(ks[4], (64, 1), dtype=jnp.float32) * 0.1
    b3 = jnp.zeros((1,), dtype=jnp.float32)
    return {"x": x, "tables": tables, "W1": W1, "b1": b1, "gamma1": gamma1, "beta1": beta1, "W2": W2, "b2": b2, "gamma2": gamma2, "beta2": beta2, "W3": W3, "b3": b3}


def _batch_norm(h, gamma, beta, eps=1e-5):
    mean = jnp.mean(h, axis=0, keepdims=True)
    var = jnp.var(h, axis=0, keepdims=True)
    return (h - mean) / jnp.sqrt(var + eps) * gamma + beta


def reference(x, tables, W1, b1, gamma1, beta1, W2, b2, gamma2, beta2, W3, b3):
    # per-field embedding lookup then concat (dropout is identity at inference)
    emb = jnp.concatenate([jnp.take(tables[i], x[:, i], axis=0) for i in range(NF)], axis=1)
    h = jax.nn.relu(emb @ W1 + b1)
    h = _batch_norm(h, gamma1, beta1)
    h = jax.nn.relu(h @ W2 + b2)
    h = _batch_norm(h, gamma2, beta2)
    out = h @ W3 + b3
    return jnp.squeeze(out, axis=-1)

if __name__ == "__main__":
    import jax
    _d = setup_inputs()
    print(jax.jit(kernel)(*tuple(_d.values())))

</pallas_src>

<mosaic_0001>
#map = affine_map<(d0, d1) -> (0, 0)>
#map1 = affine_map<(d0, d1) -> (0)>
module attributes {stable_mosaic.version = 14 : i64} {
  func.func @gather_k(%arg0: i32, %arg1: i32, %arg2: memref<2600000x32xf32, #tpu.memory_space<hbm>>, %arg3: memref<425984xi32, #tpu.memory_space<hbm>>, %arg4: memref<425984x32xf32, #tpu.memory_space<hbm>>, %arg5: memref<13312xi32, #tpu.memory_space<vmem>>, %arg6: memref<832x32xf32, #tpu.memory_space<vmem>>, %arg7: memref<832x32xf32, #tpu.memory_space<vmem>>, %arg8: memref<!tpu.dma_semaphore, #tpu.memory_space<semaphore_mem>>, %arg9: memref<!tpu.dma_semaphore, #tpu.memory_space<semaphore_mem>>) attributes {dimension_semantics = [#tpu.dimension_semantics<core_parallel>, #tpu.dimension_semantics<subcore_parallel>], iteration_bounds = array<i64: 2, 16>, scalar_prefetch = 0 : i64, scratch_operands = 5 : i64, tpu.core_type = #tpu.core_type<sc_vector_subcore>, window_params = [{transform_indices = #map}, {transform_indices = #map1}, {transform_indices = #map}]} {
    %mul3A = arith.constant 2 : i32
    %mul3A_0 = arith.muli %arg1, %mul3A : i32
    %add3A = arith.addi %mul3A_0, %arg0 : i32
    %mul3A_1 = arith.constant 13312 : i32
    %mul3A_2 = arith.muli %add3A, %mul3A_1 : i32
    "tpu.region"() ({
      %run_scoped3A = tpu.sem_alloc : memref<!tpu.dma_semaphore, #tpu.memory_space<semaphore_mem>>
      %dma_start3A_193 = tpu.memref_slice %arg3[%mul3A_2] : memref<425984xi32, #tpu.memory_space<hbm>> -> memref<13312xi32, #tpu.memory_space<hbm>>
      %dma_start3A_194 = tpu.memref_slice %arg3[%mul3A_2] : memref<425984xi32, #tpu.memory_space<hbm>> -> memref<13312xi32, #tpu.memory_space<hbm>>
      tpu.enqueue_dma source(%dma_start3A_194 : memref<13312xi32, #tpu.memory_space<hbm>>) target(%arg5 : memref<13312xi32, #tpu.memory_space<vmem>>) target_semaphore(%run_scoped3A : memref<!tpu.dma_semaphore, #tpu.memory_space<semaphore_mem>>)
      %dma_wait3A_195 = tpu.memref_slice %arg3[%mul3A_2] : memref<425984xi32, #tpu.memory_space<hbm>> -> memref<13312xi32, #tpu.memory_space<hbm>>
      %dma_wait3A_196 = tpu.memref_slice %arg3[%mul3A_2] : memref<425984xi32, #tpu.memory_space<hbm>> -> memref<13312xi32, #tpu.memory_space<hbm>>
      tpu.wait_dma2 semaphore(%run_scoped3A : memref<!tpu.dma_semaphore, #tpu.memory_space<semaphore_mem>>) src(%dma_wait3A_196 : memref<13312xi32, #tpu.memory_space<hbm>>) dst(%arg5 : memref<13312xi32, #tpu.memory_space<vmem>>)
      tpu.yield
    }) : () -> ()
    %dma_start3A = arith.constant 0 : i32
    %dma_start3A_3 = tpu.memref_slice %arg5[%dma_start3A] : memref<13312xi32, #tpu.memory_space<vmem>> -> memref<832xi32, #tpu.memory_space<vmem>>
    %dma_start3A_4 = arith.constant 0 : i32
    %dma_start3A_5 = arith.constant 0 : i32
    %dma_start3A_6 = tpu.memref_slice %arg2[%dma_start3A_4, %dma_start3A_5] : memref<2600000x32xf32, #tpu.memory_space<hbm>> -> memref<2600000x32xf32, #tpu.memory_space<hbm>>
    tpu.enqueue_indirect_dma source(%dma_start3A_6 : memref<2600000x32xf32, #tpu.memory_space<hbm>>) target(%arg6 : memref<832x32xf32, #tpu.memory_space<vmem>>) offsets(%dma_start3A_3 : memref<832xi32, #tpu.memory_space<vmem>>) semaphore(%arg8 : memref<!tpu.dma_semaphore, #tpu.memory_space<semaphore_mem>>)
    %dma_start3A_7 = arith.constant 832 : i32
    %dma_start3A_8 = tpu.memref_slice %arg5[%dma_start3A_7] : memref<13312xi32, #tpu.memory_space<vmem>> -> memref<832xi32, #tpu.memory_space<vmem>>
    %dma_start3A_9 = arith.constant 0 : i32
    %dma_start3A_10 = arith.constant 0 : i32
    %dma_start3A_11 = tpu.memref_slice %arg2[%dma_start3A_9, %dma_start3A_10] : memref<2600000x32xf32, #tpu.memory_space<hbm>> -> memref<2600000x32xf32, #tpu.memory_space<hbm>>
    tpu.enqueue_indirect_dma source(%dma_start3A_11 : memref<2600000x32xf32, #tpu.memory_space<hbm>>) target(%arg7 : memref<832x32xf32, #tpu.memory_space<vmem>>) offsets(%dma_start3A_8 : memref<832xi32, #tpu.memory_space<vmem>>) semaphore(%arg9 : memref<!tpu.dma_semaphore, #tpu.memory_space<semaphore_mem>>)
    %dma_wait3A = arith.constant 0 : i32
    %dma_wait3A_12 = tpu.memref_slice %arg5[%dma_wait3A] : memref<13312xi32, #tpu.memory_space<vmem>> -> memref<832xi32, #tpu.memory_space<vmem>>
    %dma_wait3A_13 = arith.constant 0 : i32
    %dma_wait3A_14 = arith.constant 0 : i32
    %dma_wait3A_15 = tpu.memref_slice %arg2[%dma_wait3A_13, %dma_wait3A_14] : memref<2600000x32xf32, #tpu.memory_space<hbm>> -> memref<2600000x32xf32, #tpu.memory_space<hbm>>
    tpu.wait_indirect_dma semaphore(%arg8 : memref<!tpu.dma_semaphore, #tpu.memory_space<semaphore_mem>>) src(%dma_wait3A_15 : memref<2600000x32xf32, #tpu.memory_space<hbm>>) dst(%arg6 : memref<832x32xf32, #tpu.memory_space<vmem>>)
    %add3A_16 = arith.constant 0 : i32
    %add3A_17 = arith.addi %mul3A_2, %add3A_16 : i32
    "tpu.region"() ({
      %run_scoped3A = tpu.sem_alloc : memref<!tpu.dma_semaphore, #tpu.memory_space<semaphore_mem>>
      %dma_start3A_193 = arith.constant 0 : i32
      %dma_start3A_194 = tpu.memref_slice %arg4[%add3A_17, %dma_start3A_193] : memref<425984x32xf32, #tpu.memory_space<hbm>> -> memref<832x32xf32, #tpu.memory_space<hbm>>
      %dma_start3A_195 = arith.constant 0 : i32
      %dma_start3A_196 = tpu.memref_slice %arg4[%add3A_17, %dma_start3A_195] : memref<425984x32xf32, #tpu.memory_space<hbm>> -> memref<832x32xf32, #tpu.memory_space<hbm>>
      tpu.enqueue_dma source(%arg6 : memref<832x32xf32, #tpu.memory_space<vmem>>) target(%dma_start3A_196 : memref<832x32xf32, #tpu.memory_space<hbm>>) target_semaphore(%run_scoped3A : memref<!tpu.dma_semaphore, #tpu.memory_space<semaphore_mem>>)
      %dma_wait3A_197 = arith.constant 0 : i32
      %dma_wait3A_198 = tpu.memref_slice %arg4[%add3A_17, %dma_wait3A_197] : memref<425984x32xf32, #tpu.memory_space<hbm>> -> memref<832x32xf32, #tpu.memory_space<hbm>>
      %dma_wait3A_199 = arith.constant 0 : i32
      %dma_wait3A_200 = tpu.memref_slice %arg4[%add3A_17, %dma_wait3A_199] : memref<425984x32xf32, #tpu.memory_space<hbm>> -> memref<832x32xf32, #tpu.memory_space<hbm>>
      tpu.wait_dma2 semaphore(%run_scoped3A : memref<!tpu.dma_semaphore, #tpu.memory_space<semaphore_mem>>) src(%arg6 : memref<832x32xf32, #tpu.memory_space<vmem>>) dst(%dma_wait3A_200 : memref<832x32xf32, #tpu.memory_space<hbm>>)
      tpu.yield
    }) : () -> ()
    %dma_start3A_18 = arith.constant 1664 : i32
    %dma_start3A_19 = tpu.memref_slice %arg5[%dma_start3A_18] : memref<13312xi32, #tpu.memory_space<vmem>> -> memref<832xi32, #tpu.memory_space<vmem>>
    %dma_start3A_20 = arith.constant 0 : i32
    %dma_start3A_21 = arith.constant 0 : i32
    %dma_start3A_22 = tpu.memref_slice %arg2[%dma_start3A_20, %dma_start3A_21] : memref<2600000x32xf32, #tpu.memory_space<hbm>> -> memref<2600000x32xf32, #tpu.memory_space<hbm>>
    tpu.enqueue_indirect_dma source(%dma_start3A_22 : memref<2600000x32xf32, #tpu.memory_space<hbm>>) target(%arg6 : memref<832x32xf32, #tpu.memory_space<vmem>>) offsets(%dma_start3A_19 : memref<832xi32, #tpu.memory_space<vmem>>) semaphore(%arg8 : memref<!tpu.dma_semaphore, #tpu.memory_space<semaphore_mem>>)
    %dma_wait3A_23 = arith.constant 832 : i32
    %dma_wait3A_24 = tpu.memref_slice %arg5[%dma_wait3A_23] : memref<13312xi32, #tpu.memory_space<vmem>> -> memref<832xi32, #tpu.memory_space<vmem>>
    %dma_wait3A_25 = arith.constant 0 : i32
    %dma_wait3A_26 = arith.constant 0 : i32
    %dma_wait3A_27 = tpu.memref_slice %arg2[%dma_wait3A_25, %dma_wait3A_26] : memref<2600000x32xf32, #tpu.memory_space<hbm>> -> memref<2600000x32xf32, #tpu.memory_space<hbm>>
    tpu.wait_indirect_dma semaphore(%arg9 : memref<!tpu.dma_semaphore, #tpu.memory_space<semaphore_mem>>) src(%dma_wait3A_27 : memref<2600000x32xf32, #tpu.memory_space<hbm>>) dst(%arg7 : memref<832x32xf32, #tpu.memory_space<vmem>>)
    %add3A_28 = arith.constant 832 : i32
    %add3A_29 = arith.addi %mul3A_2, %add3A_28 : i32
    "tpu.region"() ({
      %run_scoped3A = tpu.sem_alloc : memref<!tpu.dma_semaphore, #tpu.memory_space<semaphore_mem>>
      %dma_start3A_193 = arith.constant 0 : i32
      %dma_start3A_194 = tpu.memref_slice %arg4[%add3A_29, %dma_start3A_193] : memref<425984x32xf32, #tpu.memory_space<hbm>> -> memref<832x32xf32, #tpu.memory_space<hbm>>
      %dma_start3A_195 = arith.constant 0 : i32
      %dma_start3A_196 = tpu.memref_slice %arg4[%add3A_29, %dma_start3A_195] : memref<425984x32xf32, #tpu.memory_space<hbm>> -> memref<832x32xf32, #tpu.memory_space<hbm>>
      tpu.enqueue_dma source(%arg7 : memref<832x32xf32, #tpu.memory_space<vmem>>) target(%dma_start3A_196 : memref<832x32xf32, #tpu.memory_space<hbm>>) target_semaphore(%run_scoped3A : memref<!tpu.dma_semaphore, #tpu.memory_space<semaphore_mem>>)
      %dma_wait3A_197 = arith.constant 0 : i32
      %dma_wait3A_198 = tpu.memref_slice %arg4[%add3A_29, %dma_wait3A_197] : memref<425984x32xf32, #tpu.memory_space<hbm>> -> memref<832x32xf32, #tpu.memory_space<hbm>>
      %dma_wait3A_199 = arith.constant 0 : i32
      %dma_wait3A_200 = tpu.memref_slice %arg4[%add3A_29, %dma_wait3A_199] : memref<425984x32xf32, #tpu.memory_space<hbm>> -> memref<832x32xf32, #tpu.memory_space<hbm>>
      tpu.wait_dma2 semaphore(%run_scoped3A : memref<!tpu.dma_semaphore, #tpu.memory_space<semaphore_mem>>) src(%arg7 : memref<832x32xf32, #tpu.memory_space<vmem>>) dst(%dma_wait3A_200 : memref<832x32xf32, #tpu.memory_space<hbm>>)
      tpu.yield
    }) : () -> ()
    %dma_start3A_30 = arith.constant 2496 : i32
    %dma_start3A_31 = tpu.memref_slice %arg5[%dma_start3A_30] : memref<13312xi32, #tpu.memory_space<vmem>> -> memref<832xi32, #tpu.memory_space<vmem>>
    %dma_start3A_32 = arith.constant 0 : i32
    %dma_start3A_33 = arith.constant 0 : i32
    %dma_start3A_34 = tpu.memref_slice %arg2[%dma_start3A_32, %dma_start3A_33] : memref<2600000x32xf32, #tpu.memory_space<hbm>> -> memref<2600000x32xf32, #tpu.memory_space<hbm>>
    tpu.enqueue_indirect_dma source(%dma_start3A_34 : memref<2600000x32xf32, #tpu.memory_space<hbm>>) target(%arg7 : memref<832x32xf32, #tpu.memory_space<vmem>>) offsets(%dma_start3A_31 : memref<832xi32, #tpu.memory_space<vmem>>) semaphore(%arg9 : memref<!tpu.dma_semaphore, #tpu.memory_space<semaphore_mem>>)
    %dma_wait3A_35 = arith.constant 1664 : i32
    %dma_wait3A_36 = tpu.memref_slice %arg5[%dma_wait3A_35] : memref<13312xi32, #tpu.memory_space<vmem>> -> memref<832xi32, #tpu.memory_space<vmem>>
    %dma_wait3A_37 = arith.constant 0 : i32
    %dma_wait3A_38 = arith.constant 0 : i32
    %dma_wait3A_39 = tpu.memref_slice %arg2[%dma_wait3A_37, %dma_wait3A_38] : memref<2600000x32xf32, #tpu.memory_space<hbm>> -> memref<2600000x32xf32, #tpu.memory_space<hbm>>
    tpu.wait_indirect_dma semaphore(%arg8 : memref<!tpu.dma_semaphore, #tpu.memory_space<semaphore_mem>>) src(%dma_wait3A_39 : memref<2600000x32xf32, #tpu.memory_space<hbm>>) dst(%arg6 : memref<832x32xf32, #tpu.memory_space<vmem>>)
    %add3A_40 = arith.constant 1664 : i32
    %add3A_41 = arith.addi %mul3A_2, %add3A_40 : i32
    "tpu.region"() ({
      %run_scoped3A = tpu.sem_alloc : memref<!tpu.dma_semaphore, #tpu.memory_space<semaphore_mem>>
      %dma_start3A_193 = arith.constant 0 : i32
      %dma_start3A_194 = tpu.memref_slice %arg4[%add3A_41, %dma_start3A_193] : memref<425984x32xf32, #tpu.memory_space<hbm>> -> memref<832x32xf32, #tpu.memory_space<hbm>>
      %dma_start3A_195 = arith.constant 0 : i32
      %dma_start3A_196 = tpu.memref_slice %arg4[%add3A_41, %dma_start3A_195] : memref<425984x32xf32, #tpu.memory_space<hbm>> -> memref<832x32xf32, #tpu.memory_space<hbm>>
      tpu.enqueue_dma source(%arg6 : memref<832x32xf32, #tpu.memory_space<vmem>>) target(%dma_start3A_196 : memref<832x32xf32, #tpu.memory_space<hbm>>) target_semaphore(%run_scoped3A : memref<!tpu.dma_semaphore, #tpu.memory_space<semaphore_mem>>)
      %dma_wait3A_197 = arith.constant 0 : i32
      %dma_wait3A_198 = tpu.memref_slice %arg4[%add3A_41, %dma_wait3A_197] : memref<425984x32xf32, #tpu.memory_space<hbm>> -> memref<832x32xf32, #tpu.memory_space<hbm>>
      %dma_wait3A_199 = arith.constant 0 : i32
      %dma_wait3A_200 = tpu.memref_slice %arg4[%add3A_41, %dma_wait3A_199] : memref<425984x32xf32, #tpu.memory_space<hbm>> -> memref<832x32xf32, #tpu.memory_space<hbm>>
      tpu.wait_dma2 semaphore(%run_scoped3A : memref<!tpu.dma_semaphore, #tpu.memory_space<semaphore_mem>>) src(%arg6 : memref<832x32xf32, #tpu.memory_space<vmem>>) dst(%dma_wait3A_200 : memref<832x32xf32, #tpu.memory_space<hbm>>)
      tpu.yield
    }) : () -> ()
    %dma_start3A_42 = arith.constant 3328 : i32
    %dma_start3A_43 = tpu.memref_slice %arg5[%dma_start3A_42] : memref<13312xi32, #tpu.memory_space<vmem>> -> memref<832xi32, #tpu.memory_space<vmem>>
    %dma_start3A_44 = arith.constant 0 : i32
    %dma_start3A_45 = arith.constant 0 : i32
    %dma_start3A_46 = tpu.memref_slice %arg2[%dma_start3A_44, %dma_start3A_45] : memref<2600000x32xf32, #tpu.memory_space<hbm>> -> memref<2600000x32xf32, #tpu.memory_space<hbm>>
    tpu.enqueue_indirect_dma source(%dma_start3A_46 : memref<2600000x32xf32, #tpu.memory_space<hbm>>) target(%arg6 : memref<832x32xf32, #tpu.memory_space<vmem>>) offsets(%dma_start3A_43 : memref<832xi32, #tpu.memory_space<vmem>>) semaphore(%arg8 : memref<!tpu.dma_semaphore, #tpu.memory_space<semaphore_mem>>)
    %dma_wait3A_47 = arith.constant 2496 : i32
    %dma_wait3A_48 = tpu.memref_slice %arg5[%dma_wait3A_47] : memref<13312xi32, #tpu.memory_space<vmem>> -> memref<832xi32, #tpu.memory_space<vmem>>
    %dma_wait3A_49 = arith.constant 0 : i32
    %dma_wait3A_50 = arith.constant 0 : i32
    %dma_wait3A_51 = tpu.memref_slice %arg2[%dma_wait3A_49, %dma_wait3A_50] : memref<2600000x32xf32, #tpu.memory_space<hbm>> -> memref<2600000x32xf32, #tpu.memory_space<hbm>>
    tpu.wait_indirect_dma semaphore(%arg9 : memref<!tpu.dma_semaphore, #tpu.memory_space<semaphore_mem>>) src(%dma_wait3A_51 : memref<2600000x32xf32, #tpu.memory_space<hbm>>) dst(%arg7 : memref<832x32xf32, #tpu.memory_space<vmem>>)
    %add3A_52 = arith.constant 2496 : i32
    %add3A_53 = arith.addi %mul3A_2, %add3A_52 : i32
    "tpu.region"() ({
      %run_scoped3A = tpu.sem_alloc : memref<!tpu.dma_semaphore, #tpu.memory_space<semaphore_mem>>
      %dma_start3A_193 = arith.constant 0 : i32
      %dma_start3A_194 = tpu.memref_slice %arg4[%add3A_53, %dma_start3A_193] : memref<425984x32xf32, #tpu.memory_space<hbm>> -> memref<832x32xf32, #tpu.memory_space<hbm>>
      %dma_start3A_195 = arith.constant 0 : i32
      %dma_start3A_196 = tpu.memref_slice %arg4[%add3A_53, %dma_start3A_195] : memref<425984x32xf32, #tpu.memory_space<hbm>> -> memref<832x32xf32, #tpu.memory_space<hbm>>
      tpu.enqueue_dma source(%arg7 : memref<832x32xf32, #tpu.memory_space<vmem>>) target(%dma_start3A_196 : memref<832x32xf32, #tpu.memory_space<hbm>>) target_semaphore(%run_scoped3A : memref<!tpu.dma_semaphore, #tpu.memory_space<semaphore_mem>>)
      %dma_wait3A_197 = arith.constant 0 : i32
      %dma_wait3A_198 = tpu.memref_slice %arg4[%add3A_53, %dma_wait3A_197] : memref<425984x32xf32, #tpu.memory_space<hbm>> -> memref<832x32xf32, #tpu.memory_space<hbm>>
      %dma_wait3A_199 = arith.constant 0 : i32
      %dma_wait3A_200 = tpu.memref_slice %arg4[%add3A_53, %dma_wait3A_199] : memref<425984x32xf32, #tpu.memory_space<hbm>> -> memref<832x32xf32, #tpu.memory_space<hbm>>
      tpu.wait_dma2 semaphore(%run_scoped3A : memref<!tpu.dma_semaphore, #tpu.memory_space<semaphore_mem>>) src(%arg7 : memref<832x32xf32, #tpu.memory_space<vmem>>) dst(%dma_wait3A_200 : memref<832x32xf32, #tpu.memory_space<hbm>>)
      tpu.yield
    }) : () -> ()
    %dma_start3A_54 = arith.constant 4160 : i32
    %dma_start3A_55 = tpu.memref_slice %arg5[%dma_start3A_54] : memref<13312xi32, #tpu.memory_space<vmem>> -> memref<832xi32, #tpu.memory_space<vmem>>
    %dma_start3A_56 = arith.constant 0 : i32
    %dma_start3A_57 = arith.constant 0 : i32
    %dma_start3A_58 = tpu.memref_slice %arg2[%dma_start3A_56, %dma_start3A_57] : memref<2600000x32xf32, #tpu.memory_space<hbm>> -> memref<2600000x32xf32, #tpu.memory_space<hbm>>
    tpu.enqueue_indirect_dma source(%dma_start3A_58 : memref<2600000x32xf32, #tpu.memory_space<hbm>>) target(%arg7 : memref<832x32xf32, #tpu.memory_space<vmem>>) offsets(%dma_start3A_55 : memref<832xi32, #tpu.memory_space<vmem>>) semaphore(%arg9 : memref<!tpu.dma_semaphore, #tpu.memory_space<semaphore_mem>>)
    %dma_wait3A_59 = arith.constant 3328 : i32
    %dma_wait3A_60 = tpu.memref_slice %arg5[%dma_wait3A_59] : memref<13312xi32, #tpu.memory_space<vmem>> -> memref<832xi32, #tpu.memory_space<vmem>>
    %dma_wait3A_61 = arith.constant 0 : i32
    %dma_wait3A_62 = arith.constant 0 : i32
    %dma_wait3A_63 = tpu.memref_slice %arg2[%dma_wait3A_61, %dma_wait3A_62] : memref<2600000x32xf32, #tpu.memory_space<hbm>> -> memref<2600000x32xf32, #tpu.memory_space<hbm>>
    tpu.wait_indirect_dma semaphore(%arg8 : memref<!tpu.dma_semaphore, #tpu.memory_space<semaphore_mem>>) src(%dma_wait3A_63 : memref<2600000x32xf32, #tpu.memory_space<hbm>>) dst(%arg6 : memref<832x32xf32, #tpu.memory_space<vmem>>)
    %add3A_64 = arith.constant 3328 : i32
    %add3A_65 = arith.addi %mul3A_2, %add3A_64 : i32
    "tpu.region"() ({
      %run_scoped3A = tpu.sem_alloc : memref<!tpu.dma_semaphore, #tpu.memory_space<semaphore_mem>>
      %dma_start3A_193 = arith.constant 0 : i32
      %dma_start3A_194 = tpu.memref_slice %arg4[%add3A_65, %dma_start3A_193] : memref<425984x32xf32, #tpu.memory_space<hbm>> -> memref<832x32xf32, #tpu.memory_space<hbm>>
      %dma_start3A_195 = arith.constant 0 : i32
      %dma_start3A_196 = tpu.memref_slice %arg4[%add3A_65, %dma_start3A_195] : memref<425984x32xf32, #tpu.memory_space<hbm>> -> memref<832x32xf32, #tpu.memory_space<hbm>>
      tpu.enqueue_dma source(%arg6 : memref<832x32xf32, #tpu.memory_space<vmem>>) target(%dma_start3A_196 : memref<832x32xf32, #tpu.memory_space<hbm>>) target_semaphore(%run_scoped3A : memref<!tpu.dma_semaphore, #tpu.memory_space<semaphore_mem>>)
      %dma_wait3A_197 = arith.constant 0 : i32
      %dma_wait3A_198 = tpu.memref_slice %arg4[%add3A_65, %dma_wait3A_197] : memref<425984x32xf32, #tpu.memory_space<hbm>> -> memref<832x32xf32, #tpu.memory_space<hbm>>
      %dma_wait3A_199 = arith.constant 0 : i32
      %dma_wait3A_200 = tpu.memref_slice %arg4[%add3A_65, %dma_wait3A_199] : memref<425984x32xf32, #tpu.memory_space<hbm>> -> memref<832x32xf32, #tpu.memory_space<hbm>>
      tpu.wait_dma2 semaphore(%run_scoped3A : memref<!tpu.dma_semaphore, #tpu.memory_space<semaphore_mem>>) src(%arg6 : memref<832x32xf32, #tpu.memory_space<vmem>>) dst(%dma_wait3A_200 : memref<832x32xf32, #tpu.memory_space<hbm>>)
      tpu.yield
    }) : () -> ()
    %dma_start3A_66 = arith.constant 4992 : i32
    %dma_start3A_67 = tpu.memref_slice %arg5[%dma_start3A_66] : memref<13312xi32, #tpu.memory_space<vmem>> -> memref<832xi32, #tpu.memory_space<vmem>>
    %dma_start3A_68 = arith.constant 0 : i32
    %dma_start3A_69 = arith.constant 0 : i32
    %dma_start3A_70 = tpu.memref_slice %arg2[%dma_start3A_68, %dma_start3A_69] : memref<2600000x32xf32, #tpu.memory_space<hbm>> -> memref<2600000x32xf32, #tpu.memory_space<hbm>>
    tpu.enqueue_indirect_dma source(%dma_start3A_70 : memref<2600000x32xf32, #tpu.memory_space<hbm>>) target(%arg6 : memref<832x32xf32, #tpu.memory_space<vmem>>) offsets(%dma_start3A_67 : memref<832xi32, #tpu.memory_space<vmem>>) semaphore(%arg8 : memref<!tpu.dma_semaphore, #tpu.memory_space<semaphore_mem>>)
    %dma_wait3A_71 = arith.constant 4160 : i32
    %dma_wait3A_72 = tpu.memref_slice %arg5[%dma_wait3A_71] : memref<13312xi32, #tpu.memory_space<vmem>> -> memref<832xi32, #tpu.memory_space<vmem>>
    %dma_wait3A_73 = arith.constant 0 : i32
    %dma_wait3A_74 = arith.constant 0 : i32
    %dma_wait3A_75 = tpu.memref_slice %arg2[%dma_wait3A_73, %dma_wait3A_74] : memref<2600000x32xf32, #tpu.memory_space<hbm>> -> memref<2600000x32xf32, #tpu.memory_space<hbm>>
    tpu.wait_indirect_dma semaphore(%arg9 : memref<!tpu.dma_semaphore, #tpu.memory_space<semaphore_mem>>) src(%dma_wait3A_75 : memref<2600000x32xf32, #tpu.memory_space<hbm>>) dst(%arg7 : memref<832x32xf32, #tpu.memory_space<vmem>>)
    %add3A_76 = arith.constant 4160 : i32
    %add3A_77 = arith.addi %mul3A_2, %add3A_76 : i32
    "tpu.region"() ({
      %run_scoped3A = tpu.sem_alloc : memref<!tpu.dma_semaphore, #tpu.memory_space<semaphore_mem>>
      %dma_start3A_193 = arith.constant 0 : i32
      %dma_start3A_194 = tpu.memref_slice %arg4[%add3A_77, %dma_start3A_193] : memref<425984x32xf32, #tpu.memory_space<hbm>> -> memref<832x32xf32, #tpu.memory_space<hbm>>
      %dma_start3A_195 = arith.constant 0 : i32
      %dma_start3A_196 = tpu.memref_slice %arg4[%add3A_77, %dma_start3A_195] : memref<425984x32xf32, #tpu.memory_space<hbm>> -> memref<832x32xf32, #tpu.memory_space<hbm>>
      tpu.enqueue_dma source(%arg7 : memref<832x32xf32, #tpu.memory_space<vmem>>) target(%dma_start3A_196 : memref<832x32xf32, #tpu.memory_space<hbm>>) target_semaphore(%run_scoped3A : memref<!tpu.dma_semaphore, #tpu.memory_space<semaphore_mem>>)
      %dma_wait3A_197 = arith.constant 0 : i32
      %dma_wait3A_198 = tpu.memref_slice %arg4[%add3A_77, %dma_wait3A_197] : memref<425984x32xf32, #tpu.memory_space<hbm>> -> memref<832x32xf32, #tpu.memory_space<hbm>>
      %dma_wait3A_199 = arith.constant 0 : i32
      %dma_wait3A_200 = tpu.memref_slice %arg4[%add3A_77, %dma_wait3A_199] : memref<425984x32xf32, #tpu.memory_space<hbm>> -> memref<832x32xf32, #tpu.memory_space<hbm>>
      tpu.wait_dma2 semaphore(%run_scoped3A : memref<!tpu.dma_semaphore, #tpu.memory_space<semaphore_mem>>) src(%arg7 : memref<832x32xf32, #tpu.memory_space<vmem>>) dst(%dma_wait3A_200 : memref<832x32xf32, #tpu.memory_space<hbm>>)
      tpu.yield
    }) : () -> ()
    %dma_start3A_78 = arith.constant 5824 : i32
    %dma_start3A_79 = tpu.memref_slice %arg5[%dma_start3A_78] : memref<13312xi32, #tpu.memory_space<vmem>> -> memref<832xi32, #tpu.memory_space<vmem>>
    %dma_start3A_80 = arith.constant 0 : i32
    %dma_start3A_81 = arith.constant 0 : i32
    %dma_start3A_82 = tpu.memref_slice %arg2[%dma_start3A_80, %dma_start3A_81] : memref<2600000x32xf32, #tpu.memory_space<hbm>> -> memref<2600000x32xf32, #tpu.memory_space<hbm>>
    tpu.enqueue_indirect_dma source(%dma_start3A_82 : memref<2600000x32xf32, #tpu.memory_space<hbm>>) target(%arg7 : memref<832x32xf32, #tpu.memory_space<vmem>>) offsets(%dma_start3A_79 : memref<832xi32, #tpu.memory_space<vmem>>) semaphore(%arg9 : memref<!tpu.dma_semaphore, #tpu.memory_space<semaphore_mem>>)
    %dma_wait3A_83 = arith.constant 4992 : i32
    %dma_wait3A_84 = tpu.memref_slice %arg5[%dma_wait3A_83] : memref<13312xi32, #tpu.memory_space<vmem>> -> memref<832xi32, #tpu.memory_space<vmem>>
    %dma_wait3A_85 = arith.constant 0 : i32
    %dma_wait3A_86 = arith.constant 0 : i32
    %dma_wait3A_87 = tpu.memref_slice %arg2[%dma_wait3A_85, %dma_wait3A_86] : memref<2600000x32xf32, #tpu.memory_space<hbm>> -> memref<2600000x32xf32, #tpu.memory_space<hbm>>
    tpu.wait_indirect_dma semaphore(%arg8 : memref<!tpu.dma_semaphore, #tpu.memory_space<semaphore_mem>>) src(%dma_wait3A_87 : memref<2600000x32xf32, #tpu.memory_space<hbm>>) dst(%arg6 : memref<832x32xf32, #tpu.memory_space<vmem>>)
    %add3A_88 = arith.constant 4992 : i32
    %add3A_89 = arith.addi %mul3A_2, %add3A_88 : i32
    "tpu.region"() ({
      %run_scoped3A = tpu.sem_alloc : memref<!tpu.dma_semaphore, #tpu.memory_space<semaphore_mem>>
      %dma_start3A_193 = arith.constant 0 : i32
      %dma_start3A_194 = tpu.memref_slice %arg4[%add3A_89, %dma_start3A_193] : memref<425984x32xf32, #tpu.memory_space<hbm>> -> memref<832x32xf32, #tpu.memory_space<hbm>>
      %dma_start3A_195 = arith.constant 0 : i32
      %dma_start3A_196 = tpu.memref_slice %arg4[%add3A_89, %dma_start3A_195] : memref<425984x32xf32, #tpu.memory_space<hbm>> -> memref<832x32xf32, #tpu.memory_space<hbm>>
      tpu.enqueue_dma source(%arg6 : memref<832x32xf32, #tpu.memory_space<vmem>>) target(%dma_start3A_196 : memref<832x32xf32, #tpu.memory_space<hbm>>) target_semaphore(%run_scoped3A : memref<!tpu.dma_semaphore, #tpu.memory_space<semaphore_mem>>)
      %dma_wait3A_197 = arith.constant 0 : i32
      %dma_wait3A_198 = tpu.memref_slice %arg4[%add3A_89, %dma_wait3A_197] : memref<425984x32xf32, #tpu.memory_space<hbm>> -> memref<832x32xf32, #tpu.memory_space<hbm>>
      %dma_wait3A_199 = arith.constant 0 : i32
      %dma_wait3A_200 = tpu.memref_slice %arg4[%add3A_89, %dma_wait3A_199] : memref<425984x32xf32, #tpu.memory_space<hbm>> -> memref<832x32xf32, #tpu.memory_space<hbm>>
      tpu.wait_dma2 semaphore(%run_scoped3A : memref<!tpu.dma_semaphore, #tpu.memory_space<semaphore_mem>>) src(%arg6 : memref<832x32xf32, #tpu.memory_space<vmem>>) dst(%dma_wait3A_200 : memref<832x32xf32, #tpu.memory_space<hbm>>)
      tpu.yield
    }) : () -> ()
    %dma_start3A_90 = arith.constant 6656 : i32
    %dma_start3A_91 = tpu.memref_slice %arg5[%dma_start3A_90] : memref<13312xi32, #tpu.memory_space<vmem>> -> memref<832xi32, #tpu.memory_space<vmem>>
    %dma_start3A_92 = arith.constant 0 : i32
    %dma_start3A_93 = arith.constant 0 : i32
    %dma_start3A_94 = tpu.memref_slice %arg2[%dma_start3A_92, %dma_start3A_93] : memref<2600000x32xf32, #tpu.memory_space<hbm>> -> memref<2600000x32xf32, #tpu.memory_space<hbm>>
    tpu.enqueue_indirect_dma source(%dma_start3A_94 : memref<2600000x32xf32, #tpu.memory_space<hbm>>) target(%arg6 : memref<832x32xf32, #tpu.memory_space<vmem>>) offsets(%dma_start3A_91 : memref<832xi32, #tpu.memory_space<vmem>>) semaphore(%arg8 : memref<!tpu.dma_semaphore, #tpu.memory_space<semaphore_mem>>)
    %dma_wait3A_95 = arith.constant 5824 : i32
    %dma_wait3A_96 = tpu.memref_slice %arg5[%dma_wait3A_95] : memref<13312xi32, #tpu.memory_space<vmem>> -> memref<832xi32, #tpu.memory_space<vmem>>
    %dma_wait3A_97 = arith.constant 0 : i32
    %dma_wait3A_98 = arith.constant 0 : i32
    %dma_wait3A_99 = tpu.memref_slice %arg2[%dma_wait3A_97, %dma_wait3A_98] : memref<2600000x32xf32, #tpu.memory_space<hbm>> -> memref<2600000x32xf32, #tpu.memory_space<hbm>>
    tpu.wait_indirect_dma semaphore(%arg9 : memref<!tpu.dma_semaphore, #tpu.memory_space<semaphore_mem>>) src(%dma_wait3A_99 : memref<2600000x32xf32, #tpu.memory_space<hbm>>) dst(%arg7 : memref<832x32xf32, #tpu.memory_space<vmem>>)
    %add3A_100 = arith.constant 5824 : i32
    %add3A_101 = arith.addi %mul3A_2, %add3A_100 : i32
    "tpu.region"() ({
      %run_scoped3A = tpu.sem_alloc : memref<!tpu.dma_semaphore, #tpu.memory_space<semaphore_mem>>
      %dma_start3A_193 = arith.constant 0 : i32
      %dma_start3A_194 = tpu.memref_slice %arg4[%add3A_101, %dma_start3A_193] : memref<425984x32xf32, #tpu.memory_space<hbm>> -> memref<832x32xf32, #tpu.memory_space<hbm>>
      %dma_start3A_195 = arith.constant 0 : i32
      %dma_start3A_196 = tpu.memref_slice %arg4[%add3A_101, %dma_start3A_195] : memref<425984x32xf32, #tpu.memory_space<hbm>> -> memref<832x32xf32, #tpu.memory_space<hbm>>
      tpu.enqueue_dma source(%arg7 : memref<832x32xf32, #tpu.memory_space<vmem>>) target(%dma_start3A_196 : memref<832x32xf32, #tpu.memory_space<hbm>>) target_semaphore(%run_scoped3A : memref<!tpu.dma_semaphore, #tpu.memory_space<semaphore_mem>>)
      %dma_wait3A_197 = arith.constant 0 : i32
      %dma_wait3A_198 = tpu.memref_slice %arg4[%add3A_101, %dma_wait3A_197] : memref<425984x32xf32, #tpu.memory_space<hbm>> -> memref<832x32xf32, #tpu.memory_space<hbm>>
      %dma_wait3A_199 = arith.constant 0 : i32
      %dma_wait3A_200 = tpu.memref_slice %arg4[%add3A_101, %dma_wait3A_199] : memref<425984x32xf32, #tpu.memory_space<hbm>> -> memref<832x32xf32, #tpu.memory_space<hbm>>
      tpu.wait_dma2 semaphore(%run_scoped3A : memref<!tpu.dma_semaphore, #tpu.memory_space<semaphore_mem>>) src(%arg7 : memref<832x32xf32, #tpu.memory_space<vmem>>) dst(%dma_wait3A_200 : memref<832x32xf32, #tpu.memory_space<hbm>>)
      tpu.yield
    }) : () -> ()
    %dma_start3A_102 = arith.constant 7488 : i32
    %dma_start3A_103 = tpu.memref_slice %arg5[%dma_start3A_102] : memref<13312xi32, #tpu.memory_space<vmem>> -> memref<832xi32, #tpu.memory_space<vmem>>
    %dma_start3A_104 = arith.constant 0 : i32
    %dma_start3A_105 = arith.constant 0 : i32
    %dma_start3A_106 = tpu.memref_slice %arg2[%dma_start3A_104, %dma_start3A_105] : memref<2600000x32xf32, #tpu.memory_space<hbm>> -> memref<2600000x32xf32, #tpu.memory_space<hbm>>
    tpu.enqueue_indirect_dma source(%dma_start3A_106 : memref<2600000x32xf32, #tpu.memory_space<hbm>>) target(%arg7 : memref<832x32xf32, #tpu.memory_space<vmem>>) offsets(%dma_start3A_103 : memref<832xi32, #tpu.memory_space<vmem>>) semaphore(%arg9 : memref<!tpu.dma_semaphore, #tpu.memory_space<semaphore_mem>>)
    %dma_wait3A_107 = arith.constant 6656 : i32
    %dma_wait3A_108 = tpu.memref_slice %arg5[%dma_wait3A_107] : memref<13312xi32, #tpu.memory_space<vmem>> -> memref<832xi32, #tpu.memory_space<vmem>>
    %dma_wait3A_109 = arith.constant 0 : i32
    %dma_wait3A_110 = arith.constant 0 : i32
    %dma_wait3A_111 = tpu.memref_slice %arg2[%dma_wait3A_109, %dma_wait3A_110] : memref<2600000x32xf32, #tpu.memory_space<hbm>> -> memref<2600000x32xf32, #tpu.memory_space<hbm>>
    tpu.wait_indirect_dma semaphore(%arg8 : memref<!tpu.dma_semaphore, #tpu.memory_space<semaphore_mem>>) src(%dma_wait3A_111 : memref<2600000x32xf32, #tpu.memory_space<hbm>>) dst(%arg6 : memref<832x32xf32, #tpu.memory_space<vmem>>)
    %add3A_112 = arith.constant 6656 : i32
    %add3A_113 = arith.addi %mul3A_2, %add3A_112 : i32
    "tpu.region"() ({
      %run_scoped3A = tpu.sem_alloc : memref<!tpu.dma_semaphore, #tpu.memory_space<semaphore_mem>>
      %dma_start3A_193 = arith.constant 0 : i32
      %dma_start3A_194 = tpu.memref_slice %arg4[%add3A_113, %dma_start3A_193] : memref<425984x32xf32, #tpu.memory_space<hbm>> -> memref<832x32xf32, #tpu.memory_space<hbm>>
      %dma_start3A_195 = arith.constant 0 : i32
      %dma_start3A_196 = tpu.memref_slice %arg4[%add3A_113, %dma_start3A_195] : memref<425984x32xf32, #tpu.memory_space<hbm>> -> memref<832x32xf32, #tpu.memory_space<hbm>>
      tpu.enqueue_dma source(%arg6 : memref<832x32xf32, #tpu.memory_space<vmem>>) target(%dma_start3A_196 : memref<832x32xf32, #tpu.memory_space<hbm>>) target_semaphore(%run_scoped3A : memref<!tpu.dma_semaphore, #tpu.memory_space<semaphore_mem>>)
      %dma_wait3A_197 = arith.constant 0 : i32
      %dma_wait3A_198 = tpu.memref_slice %arg4[%add3A_113, %dma_wait3A_197] : memref<425984x32xf32, #tpu.memory_space<hbm>> -> memref<832x32xf32, #tpu.memory_space<hbm>>
      %dma_wait3A_199 = arith.constant 0 : i32
      %dma_wait3A_200 = tpu.memref_slice %arg4[%add3A_113, %dma_wait3A_199] : memref<425984x32xf32, #tpu.memory_space<hbm>> -> memref<832x32xf32, #tpu.memory_space<hbm>>
      tpu.wait_dma2 semaphore(%run_scoped3A : memref<!tpu.dma_semaphore, #tpu.memory_space<semaphore_mem>>) src(%arg6 : memref<832x32xf32, #tpu.memory_space<vmem>>) dst(%dma_wait3A_200 : memref<832x32xf32, #tpu.memory_space<hbm>>)
      tpu.yield
    }) : () -> ()
    %dma_start3A_114 = arith.constant 8320 : i32
    %dma_start3A_115 = tpu.memref_slice %arg5[%dma_start3A_114] : memref<13312xi32, #tpu.memory_space<vmem>> -> memref<832xi32, #tpu.memory_space<vmem>>
    %dma_start3A_116 = arith.constant 0 : i32
    %dma_start3A_117 = arith.constant 0 : i32
    %dma_start3A_118 = tpu.memref_slice %arg2[%dma_start3A_116, %dma_start3A_117] : memref<2600000x32xf32, #tpu.memory_space<hbm>> -> memref<2600000x32xf32, #tpu.memory_space<hbm>>
    tpu.enqueue_indirect_dma source(%dma_start3A_118 : memref<2600000x32xf32, #tpu.memory_space<hbm>>) target(%arg6 : memref<832x32xf32, #tpu.memory_space<vmem>>) offsets(%dma_start3A_115 : memref<832xi32, #tpu.memory_space<vmem>>) semaphore(%arg8 : memref<!tpu.dma_semaphore, #tpu.memory_space<semaphore_mem>>)
    %dma_wait3A_119 = arith.constant 7488 : i32
    %dma_wait3A_120 = tpu.memref_slice %arg5[%dma_wait3A_119] : memref<13312xi32, #tpu.memory_space<vmem>> -> memref<832xi32, #tpu.memory_space<vmem>>
    %dma_wait3A_121 = arith.constant 0 : i32
    %dma_wait3A_122 = arith.constant 0 : i32
    %dma_wait3A_123 = tpu.memref_slice %arg2[%dma_wait3A_121, %dma_wait3A_122] : memref<2600000x32xf32, #tpu.memory_space<hbm>> -> memref<2600000x32xf32, #tpu.memory_space<hbm>>
    tpu.wait_indirect_dma semaphore(%arg9 : memref<!tpu.dma_semaphore, #tpu.memory_space<semaphore_mem>>) src(%dma_wait3A_123 : memref<2600000x32xf32, #tpu.memory_space<hbm>>) dst(%arg7 : memref<832x32xf32, #tpu.memory_space<vmem>>)
    %add3A_124 = arith.constant 7488 : i32
    %add3A_125 = arith.addi %mul3A_2, %add3A_124 : i32
    "tpu.region"() ({
      %run_scoped3A = tpu.sem_alloc : memref<!tpu.dma_semaphore, #tpu.memory_space<semaphore_mem>>
      %dma_start3A_193 = arith.constant 0 : i32
      %dma_start3A_194 = tpu.memref_slice %arg4[%add3A_125, %dma_start3A_193] : memref<425984x32xf32, #tpu.memory_space<hbm>> -> memref<832x32xf32, #tpu.memory_space<hbm>>
      %dma_start3A_195 = arith.constant 0 : i32
      %dma_start3A_196 = tpu.memref_slice %arg4[%add3A_125, %dma_start3A_195] : memref<425984x32xf32, #tpu.memory_space<hbm>> -> memref<832x32xf32, #tpu.memory_space<hbm>>
      tpu.enqueue_dma source(%arg7 : memref<832x32xf32, #tpu.memory_space<vmem>>) target(%dma_start3A_196 : memref<832x32xf32, #tpu.memory_space<hbm>>) target_semaphore(%run_scoped3A : memref<!tpu.dma_semaphore, #tpu.memory_space<semaphore_mem>>)
      %dma_wait3A_197 = arith.constant 0 : i32
      %dma_wait3A_198 = tpu.memref_slice %arg4[%add3A_125, %dma_wait3A_197] : memref<425984x32xf32, #tpu.memory_space<hbm>> -> memref<832x32xf32, #tpu.memory_space<hbm>>
      %dma_wait3A_199 = arith.constant 0 : i32
      %dma_wait3A_200 = tpu.memref_slice %arg4[%add3A_125, %dma_wait3A_199] : memref<425984x32xf32, #tpu.memory_space<hbm>> -> memref<832x32xf32, #tpu.memory_space<hbm>>
      tpu.wait_dma2 semaphore(%run_scoped3A : memref<!tpu.dma_semaphore, #tpu.memory_space<semaphore_mem>>) src(%arg7 : memref<832x32xf32, #tpu.memory_space<vmem>>) dst(%dma_wait3A_200 : memref<832x32xf32, #tpu.memory_space<hbm>>)
      tpu.yield
    }) : () -> ()
    %dma_start3A_126 = arith.constant 9152 : i32
    %dma_start3A_127 = tpu.memref_slice %arg5[%dma_start3A_126] : memref<13312xi32, #tpu.memory_space<vmem>> -> memref<832xi32, #tpu.memory_space<vmem>>
    %dma_start3A_128 = arith.constant 0 : i32
    %dma_start3A_129 = arith.constant 0 : i32
    %dma_start3A_130 = tpu.memref_slice %arg2[%dma_start3A_128, %dma_start3A_129] : memref<2600000x32xf32, #tpu.memory_space<hbm>> -> memref<2600000x32xf32, #tpu.memory_space<hbm>>
    tpu.enqueue_indirect_dma source(%dma_start3A_130 : memref<2600000x32xf32, #tpu.memory_space<hbm>>) target(%arg7 : memref<832x32xf32, #tpu.memory_space<vmem>>) offsets(%dma_start3A_127 : memref<832xi32, #tpu.memory_space<vmem>>) semaphore(%arg9 : memref<!tpu.dma_semaphore, #tpu.memory_space<semaphore_mem>>)
    %dma_wait3A_131 = arith.constant 8320 : i32
    %dma_wait3A_132 = tpu.memref_slice %arg5[%dma_wait3A_131] : memref<13312xi32, #tpu.memory_space<vmem>> -> memref<832xi32, #tpu.memory_space<vmem>>
    %dma_wait3A_133 = arith.constant 0 : i32
    %dma_wait3A_134 = arith.constant 0 : i32
    %dma_wait3A_135 = tpu.memref_slice %arg2[%dma_wait3A_133, %dma_wait3A_134] : memref<2600000x32xf32, #tpu.memory_space<hbm>> -> memref<2600000x32xf32, #tpu.memory_space<hbm>>
    tpu.wait_indirect_dma semaphore(%arg8 : memref<!tpu.dma_semaphore, #tpu.memory_space<semaphore_mem>>) src(%dma_wait3A_135 : memref<2600000x32xf32, #tpu.memory_space<hbm>>) dst(%arg6 : memref<832x32xf32, #tpu.memory_space<vmem>>)
    %add3A_136 = arith.constant 8320 : i32
    %add3A_137 = arith.addi %mul3A_2, %add3A_136 : i32
    "tpu.region"() ({
      %run_scoped3A = tpu.sem_alloc : memref<!tpu.dma_semaphore, #tpu.memory_space<semaphore_mem>>
      %dma_start3A_193 = arith.constant 0 : i32
      %dma_start3A_194 = tpu.memref_slice %arg4[%add3A_137, %dma_start3A_193] : memref<425984x32xf32, #tpu.memory_space<hbm>> -> memref<832x32xf32, #tpu.memory_space<hbm>>
      %dma_start3A_195 = arith.constant 0 : i32
      %dma_start3A_196 = tpu.memref_slice %arg4[%add3A_137, %dma_start3A_195] : memref<425984x32xf32, #tpu.memory_space<hbm>> -> memref<832x32xf32, #tpu.memory_space<hbm>>
      tpu.enqueue_dma source(%arg6 : memref<832x32xf32, #tpu.memory_space<vmem>>) target(%dma_start3A_196 : memref<832x32xf32, #tpu.memory_space<hbm>>) target_semaphore(%run_scoped3A : memref<!tpu.dma_semaphore, #tpu.memory_space<semaphore_mem>>)
      %dma_wait3A_197 = arith.constant 0 : i32
      %dma_wait3A_198 = tpu.memref_slice %arg4[%add3A_137, %dma_wait3A_197] : memref<425984x32xf32, #tpu.memory_space<hbm>> -> memref<832x32xf32, #tpu.memory_space<hbm>>
      %dma_wait3A_199 = arith.constant 0 : i32
      %dma_wait3A_200 = tpu.memref_slice %arg4[%add3A_137, %dma_wait3A_199] : memref<425984x32xf32, #tpu.memory_space<hbm>> -> memref<832x32xf32, #tpu.memory_space<hbm>>
      tpu.wait_dma2 semaphore(%run_scoped3A : memref<!tpu.dma_semaphore, #tpu.memory_space<semaphore_mem>>) src(%arg6 : memref<832x32xf32, #tpu.memory_space<vmem>>) dst(%dma_wait3A_200 : memref<832x32xf32, #tpu.memory_space<hbm>>)
      tpu.yield
    }) : () -> ()
    %dma_start3A_138 = arith.constant 9984 : i32
    %dma_start3A_139 = tpu.memref_slice %arg5[%dma_start3A_138] : memref<13312xi32, #tpu.memory_space<vmem>> -> memref<832xi32, #tpu.memory_space<vmem>>
    %dma_start3A_140 = arith.constant 0 : i32
    %dma_start3A_141 = arith.constant 0 : i32
    %dma_start3A_142 = tpu.memref_slice %arg2[%dma_start3A_140, %dma_start3A_141] : memref<2600000x32xf32, #tpu.memory_space<hbm>> -> memref<2600000x32xf32, #tpu.memory_space<hbm>>
    tpu.enqueue_indirect_dma source(%dma_start3A_142 : memref<2600000x32xf32, #tpu.memory_space<hbm>>) target(%arg6 : memref<832x32xf32, #tpu.memory_space<vmem>>) offsets(%dma_start3A_139 : memref<832xi32, #tpu.memory_space<vmem>>) semaphore(%arg8 : memref<!tpu.dma_semaphore, #tpu.memory_space<semaphore_mem>>)
    %dma_wait3A_143 = arith.constant 9152 : i32
    %dma_wait3A_144 = tpu.memref_slice %arg5[%dma_wait3A_143] : memref<13312xi32, #tpu.memory_space<vmem>> -> memref<832xi32, #tpu.memory_space<vmem>>
    %dma_wait3A_145 = arith.constant 0 : i32
    %dma_wait3A_146 = arith.constant 0 : i32
    %dma_wait3A_147 = tpu.memref_slice %arg2[%dma_wait3A_145, %dma_wait3A_146] : memref<2600000x32xf32, #tpu.memory_space<hbm>> -> memref<2600000x32xf32, #tpu.memory_space<hbm>>
    tpu.wait_indirect_dma semaphore(%arg9 : memref<!tpu.dma_semaphore, #tpu.memory_space<semaphore_mem>>) src(%dma_wait3A_147 : memref<2600000x32xf32, #tpu.memory_space<hbm>>) dst(%arg7 : memref<832x32xf32, #tpu.memory_space<vmem>>)
    %add3A_148 = arith.constant 9152 : i32
    %add3A_149 = arith.addi %mul3A_2, %add3A_148 : i32
    "tpu.region"() ({
      %run_scoped3A = tpu.sem_alloc : memref<!tpu.dma_semaphore, #tpu.memory_space<semaphore_mem>>
      %dma_start3A_193 = arith.constant 0 : i32
      %dma_start3A_194 = tpu.memref_slice %arg4[%add3A_149, %dma_start3A_193] : memref<425984x32xf32, #tpu.memory_space<hbm>> -> memref<832x32xf32, #tpu.memory_space<hbm>>
      %dma_start3A_195 = arith.constant 0 : i32
      %dma_start3A_196 = tpu.memref_slice %arg4[%add3A_149, %dma_start3A_195] : memref<425984x32xf32, #tpu.memory_space<hbm>> -> memref<832x32xf32, #tpu.memory_space<hbm>>
      tpu.enqueue_dma source(%arg7 : memref<832x32xf32, #tpu.memory_space<vmem>>) target(%dma_start3A_196 : memref<832x32xf32, #tpu.memory_space<hbm>>) target_semaphore(%run_scoped3A : memref<!tpu.dma_semaphore, #tpu.memory_space<semaphore_mem>>)
      %dma_wait3A_197 = arith.constant 0 : i32
      %dma_wait3A_198 = tpu.memref_slice %arg4[%add3A_149, %dma_wait3A_197] : memref<425984x32xf32, #tpu.memory_space<hbm>> -> memref<832x32xf32, #tpu.memory_space<hbm>>
      %dma_wait3A_199 = arith.constant 0 : i32
      %dma_wait3A_200 = tpu.memref_slice %arg4[%add3A_149, %dma_wait3A_199] : memref<425984x32xf32, #tpu.memory_space<hbm>> -> memref<832x32xf32, #tpu.memory_space<hbm>>
      tpu.wait_dma2 semaphore(%run_scoped3A : memref<!tpu.dma_semaphore, #tpu.memory_space<semaphore_mem>>) src(%arg7 : memref<832x32xf32, #tpu.memory_space<vmem>>) dst(%dma_wait3A_200 : memref<832x32xf32, #tpu.memory_space<hbm>>)
      tpu.yield
    }) : () -> ()
    %dma_start3A_150 = arith.constant 10816 : i32
    %dma_start3A_151 = tpu.memref_slice %arg5[%dma_start3A_150] : memref<13312xi32, #tpu.memory_space<vmem>> -> memref<832xi32, #tpu.memory_space<vmem>>
    %dma_start3A_152 = arith.constant 0 : i32
    %dma_start3A_153 = arith.constant 0 : i32
    %dma_start3A_154 = tpu.memref_slice %arg2[%dma_start3A_152, %dma_start3A_153] : memref<2600000x32xf32, #tpu.memory_space<hbm>> -> memref<2600000x32xf32, #tpu.memory_space<hbm>>
    tpu.enqueue_indirect_dma source(%dma_start3A_154 : memref<2600000x32xf32, #tpu.memory_space<hbm>>) target(%arg7 : memref<832x32xf32, #tpu.memory_space<vmem>>) offsets(%dma_start3A_151 : memref<832xi32, #tpu.memory_space<vmem>>) semaphore(%arg9 : memref<!tpu.dma_semaphore, #tpu.memory_space<semaphore_mem>>)
    %dma_wait3A_155 = arith.constant 9984 : i32
    %dma_wait3A_156 = tpu.memref_slice %arg5[%dma_wait3A_155] : memref<13312xi32, #tpu.memory_space<vmem>> -> memref<832xi32, #tpu.memory_space<vmem>>
    %dma_wait3A_157 = arith.constant 0 : i32
    %dma_wait3A_158 = arith.constant 0 : i32
    %dma_wait3A_159 = tpu.memref_slice %arg2[%dma_wait3A_157, %dma_wait3A_158] : memref<2600000x32xf32, #tpu.memory_space<hbm>> -> memref<2600000x32xf32, #tpu.memory_space<hbm>>
    tpu.wait_indirect_dma semaphore(%arg8 : memref<!tpu.dma_semaphore, #tpu.memory_space<semaphore_mem>>) src(%dma_wait3A_159 : memref<2600000x32xf32, #tpu.memory_space<hbm>>) dst(%arg6 : memref<832x32xf32, #tpu.memory_space<vmem>>)
    %add3A_160 = arith.constant 9984 : i32
    %add3A_161 = arith.addi %mul3A_2, %add3A_160 : i32
    "tpu.region"() ({
      %run_scoped3A = tpu.sem_alloc : memref<!tpu.dma_semaphore, #tpu.memory_space<semaphore_mem>>
      %dma_start3A_193 = arith.constant 0 : i32
      %dma_start3A_194 = tpu.memref_slice %arg4[%add3A_161, %dma_start3A_193] : memref<425984x32xf32, #tpu.memory_space<hbm>> -> memref<832x32xf32, #tpu.memory_space<hbm>>
      %dma_start3A_195 = arith.constant 0 : i32
      %dma_start3A_196 = tpu.memref_slice %arg4[%add3A_161, %dma_start3A_195] : memref<425984x32xf32, #tpu.memory_space<hbm>> -> memref<832x32xf32, #tpu.memory_space<hbm>>
      tpu.enqueue_dma source(%arg6 : memref<832x32xf32, #tpu.memory_space<vmem>>) target(%dma_start3A_196 : memref<832x32xf32, #tpu.memory_space<hbm>>) target_semaphore(%run_scoped3A : memref<!tpu.dma_semaphore, #tpu.memory_space<semaphore_mem>>)
      %dma_wait3A_197 = arith.constant 0 : i32
      %dma_wait3A_198 = tpu.memref_slice %arg4[%add3A_161, %dma_wait3A_197] : memref<425984x32xf32, #tpu.memory_space<hbm>> -> memref<832x32xf32, #tpu.memory_space<hbm>>
      %dma_wait3A_199 = arith.constant 0 : i32
      %dma_wait3A_200 = tpu.memref_slice %arg4[%add3A_161, %dma_wait3A_199] : memref<425984x32xf32, #tpu.memory_space<hbm>> -> memref<832x32xf32, #tpu.memory_space<hbm>>
      tpu.wait_dma2 semaphore(%run_scoped3A : memref<!tpu.dma_semaphore, #tpu.memory_space<semaphore_mem>>) src(%arg6 : memref<832x32xf32, #tpu.memory_space<vmem>>) dst(%dma_wait3A_200 : memref<832x32xf32, #tpu.memory_space<hbm>>)
      tpu.yield
    }) : () -> ()
    %dma_start3A_162 = arith.constant 11648 : i32
    %dma_start3A_163 = tpu.memref_slice %arg5[%dma_start3A_162] : memref<13312xi32, #tpu.memory_space<vmem>> -> memref<832xi32, #tpu.memory_space<vmem>>
    %dma_start3A_164 = arith.constant 0 : i32
    %dma_start3A_165 = arith.constant 0 : i32
    %dma_start3A_166 = tpu.memref_slice %arg2[%dma_start3A_164, %dma_start3A_165] : memref<2600000x32xf32, #tpu.memory_space<hbm>> -> memref<2600000x32xf32, #tpu.memory_space<hbm>>
    tpu.enqueue_indirect_dma source(%dma_start3A_166 : memref<2600000x32xf32, #tpu.memory_space<hbm>>) target(%arg6 : memref<832x32xf32, #tpu.memory_space<vmem>>) offsets(%dma_start3A_163 : memref<832xi32, #tpu.memory_space<vmem>>) semaphore(%arg8 : memref<!tpu.dma_semaphore, #tpu.memory_space<semaphore_mem>>)
    %dma_wait3A_167 = arith.constant 10816 : i32
    %dma_wait3A_168 = tpu.memref_slice %arg5[%dma_wait3A_167] : memref<13312xi32, #tpu.memory_space<vmem>> -> memref<832xi32, #tpu.memory_space<vmem>>
    %dma_wait3A_169 = arith.constant 0 : i32
    %dma_wait3A_170 = arith.constant 0 : i32
    %dma_wait3A_171 = tpu.memref_slice %arg2[%dma_wait3A_169, %dma_wait3A_170] : memref<2600000x32xf32, #tpu.memory_space<hbm>> -> memref<2600000x32xf32, #tpu.memory_space<hbm>>
    tpu.wait_indirect_dma semaphore(%arg9 : memref<!tpu.dma_semaphore, #tpu.memory_space<semaphore_mem>>) src(%dma_wait3A_171 : memref<2600000x32xf32, #tpu.memory_space<hbm>>) dst(%arg7 : memref<832x32xf32, #tpu.memory_space<vmem>>)
    %add3A_172 = arith.constant 10816 : i32
    %add3A_173 = arith.addi %mul3A_2, %add3A_172 : i32
    "tpu.region"() ({
      %run_scoped3A = tpu.sem_alloc : memref<!tpu.dma_semaphore, #tpu.memory_space<semaphore_mem>>
      %dma_start3A_193 = arith.constant 0 : i32
      %dma_start3A_194 = tpu.memref_slice %arg4[%add3A_173, %dma_start3A_193] : memref<425984x32xf32, #tpu.memory_space<hbm>> -> memref<832x32xf32, #tpu.memory_space<hbm>>
      %dma_start3A_195 = arith.constant 0 : i32
      %dma_start3A_196 = tpu.memref_slice %arg4[%add3A_173, %dma_start3A_195] : memref<425984x32xf32, #tpu.memory_space<hbm>> -> memref<832x32xf32, #tpu.memory_space<hbm>>
      tpu.enqueue_dma source(%arg7 : memref<832x32xf32, #tpu.memory_space<vmem>>) target(%dma_start3A_196 : memref<832x32xf32, #tpu.memory_space<hbm>>) target_semaphore(%run_scoped3A : memref<!tpu.dma_semaphore, #tpu.memory_space<semaphore_mem>>)
      %dma_wait3A_197 = arith.constant 0 : i32
      %dma_wait3A_198 = tpu.memref_slice %arg4[%add3A_173, %dma_wait3A_197] : memref<425984x32xf32, #tpu.memory_space<hbm>> -> memref<832x32xf32, #tpu.memory_space<hbm>>
      %dma_wait3A_199 = arith.constant 0 : i32
      %dma_wait3A_200 = tpu.memref_slice %arg4[%add3A_173, %dma_wait3A_199] : memref<425984x32xf32, #tpu.memory_space<hbm>> -> memref<832x32xf32, #tpu.memory_space<hbm>>
      tpu.wait_dma2 semaphore(%run_scoped3A : memref<!tpu.dma_semaphore, #tpu.memory_space<semaphore_mem>>) src(%arg7 : memref<832x32xf32, #tpu.memory_space<vmem>>) dst(%dma_wait3A_200 : memref<832x32xf32, #tpu.memory_space<hbm>>)
      tpu.yield
    }) : () -> ()
    %dma_start3A_174 = arith.constant 12480 : i32
    %dma_start3A_175 = tpu.memref_slice %arg5[%dma_start3A_174] : memref<13312xi32, #tpu.memory_space<vmem>> -> memref<832xi32, #tpu.memory_space<vmem>>
    %dma_start3A_176 = arith.constant 0 : i32
    %dma_start3A_177 = arith.constant 0 : i32
    %dma_start3A_178 = tpu.memref_slice %arg2[%dma_start3A_176, %dma_start3A_177] : memref<2600000x32xf32, #tpu.memory_space<hbm>> -> memref<2600000x32xf32, #tpu.memory_space<hbm>>
    tpu.enqueue_indirect_dma source(%dma_start3A_178 : memref<2600000x32xf32, #tpu.memory_space<hbm>>) target(%arg7 : memref<832x32xf32, #tpu.memory_space<vmem>>) offsets(%dma_start3A_175 : memref<832xi32, #tpu.memory_space<vmem>>) semaphore(%arg9 : memref<!tpu.dma_semaphore, #tpu.memory_space<semaphore_mem>>)
    %dma_wait3A_179 = arith.constant 11648 : i32
    %dma_wait3A_180 = tpu.memref_slice %arg5[%dma_wait3A_179] : memref<13312xi32, #tpu.memory_space<vmem>> -> memref<832xi32, #tpu.memory_space<vmem>>
    %dma_wait3A_181 = arith.constant 0 : i32
    %dma_wait3A_182 = arith.constant 0 : i32
    %dma_wait3A_183 = tpu.memref_slice %arg2[%dma_wait3A_181, %dma_wait3A_182] : memref<2600000x32xf32, #tpu.memory_space<hbm>> -> memref<2600000x32xf32, #tpu.memory_space<hbm>>
    tpu.wait_indirect_dma semaphore(%arg8 : memref<!tpu.dma_semaphore, #tpu.memory_space<semaphore_mem>>) src(%dma_wait3A_183 : memref<2600000x32xf32, #tpu.memory_space<hbm>>) dst(%arg6 : memref<832x32xf32, #tpu.memory_space<vmem>>)
    %add3A_184 = arith.constant 11648 : i32
    %add3A_185 = arith.addi %mul3A_2, %add3A_184 : i32
    "tpu.region"() ({
      %run_scoped3A = tpu.sem_alloc : memref<!tpu.dma_semaphore, #tpu.memory_space<semaphore_mem>>
      %dma_start3A_193 = arith.constant 0 : i32
      %dma_start3A_194 = tpu.memref_slice %arg4[%add3A_185, %dma_start3A_193] : memref<425984x32xf32, #tpu.memory_space<hbm>> -> memref<832x32xf32, #tpu.memory_space<hbm>>
      %dma_start3A_195 = arith.constant 0 : i32
      %dma_start3A_196 = tpu.memref_slice %arg4[%add3A_185, %dma_start3A_195] : memref<425984x32xf32, #tpu.memory_space<hbm>> -> memref<832x32xf32, #tpu.memory_space<hbm>>
      tpu.enqueue_dma source(%arg6 : memref<832x32xf32, #tpu.memory_space<vmem>>) target(%dma_start3A_196 : memref<832x32xf32, #tpu.memory_space<hbm>>) target_semaphore(%run_scoped3A : memref<!tpu.dma_semaphore, #tpu.memory_space<semaphore_mem>>)
      %dma_wait3A_197 = arith.constant 0 : i32
      %dma_wait3A_198 = tpu.memref_slice %arg4[%add3A_185, %dma_wait3A_197] : memref<425984x32xf32, #tpu.memory_space<hbm>> -> memref<832x32xf32, #tpu.memory_space<hbm>>
      %dma_wait3A_199 = arith.constant 0 : i32
      %dma_wait3A_200 = tpu.memref_slice %arg4[%add3A_185, %dma_wait3A_199] : memref<425984x32xf32, #tpu.memory_space<hbm>> -> memref<832x32xf32, #tpu.memory_space<hbm>>
      tpu.wait_dma2 semaphore(%run_scoped3A : memref<!tpu.dma_semaphore, #tpu.memory_space<semaphore_mem>>) src(%arg6 : memref<832x32xf32, #tpu.memory_space<vmem>>) dst(%dma_wait3A_200 : memref<832x32xf32, #tpu.memory_space<hbm>>)
      tpu.yield
    }) : () -> ()
    %dma_wait3A_186 = arith.constant 12480 : i32
    %dma_wait3A_187 = tpu.memref_slice %arg5[%dma_wait3A_186] : memref<13312xi32, #tpu.memory_space<vmem>> -> memref<832xi32, #tpu.memory_space<vmem>>
    %dma_wait3A_188 = arith.constant 0 : i32
    %dma_wait3A_189 = arith.constant 0 : i32
    %dma_wait3A_190 = tpu.memref_slice %arg2[%dma_wait3A_188, %dma_wait3A_189] : memref<2600000x32xf32, #tpu.memory_space<hbm>> -> memref<2600000x32xf32, #tpu.memory_space<hbm>>
    tpu.wait_indirect_dma semaphore(%arg9 : memref<!tpu.dma_semaphore, #tpu.memory_space<semaphore_mem>>) src(%dma_wait3A_190 : memref<2600000x32xf32, #tpu.memory_space<hbm>>) dst(%arg7 : memref<832x32xf32, #tpu.memory_space<vmem>>)
    %add3A_191 = arith.constant 12480 : i32
    %add3A_192 = arith.addi %mul3A_2, %add3A_191 : i32
    "tpu.region"() ({
      %run_scoped3A = tpu.sem_alloc : memref<!tpu.dma_semaphore, #tpu.memory_space<semaphore_mem>>
      %dma_start3A_193 = arith.constant 0 : i32
      %dma_start3A_194 = tpu.memref_slice %arg4[%add3A_192, %dma_start3A_193] : memref<425984x32xf32, #tpu.memory_space<hbm>> -> memref<832x32xf32, #tpu.memory_space<hbm>>
      %dma_start3A_195 = arith.constant 0 : i32
      %dma_start3A_196 = tpu.memref_slice %arg4[%add3A_192, %dma_start3A_195] : memref<425984x32xf32, #tpu.memory_space<hbm>> -> memref<832x32xf32, #tpu.memory_space<hbm>>
      tpu.enqueue_dma source(%arg7 : memref<832x32xf32, #tpu.memory_space<vmem>>) target(%dma_start3A_196 : memref<832x32xf32, #tpu.memory_space<hbm>>) target_semaphore(%run_scoped3A : memref<!tpu.dma_semaphore, #tpu.memory_space<semaphore_mem>>)
      %dma_wait3A_197 = arith.constant 0 : i32
      %dma_wait3A_198 = tpu.memref_slice %arg4[%add3A_192, %dma_wait3A_197] : memref<425984x32xf32, #tpu.memory_space<hbm>> -> memref<832x32xf32, #tpu.memory_space<hbm>>
      %dma_wait3A_199 = arith.constant 0 : i32
      %dma_wait3A_200 = tpu.memref_slice %arg4[%add3A_192, %dma_wait3A_199] : memref<425984x32xf32, #tpu.memory_space<hbm>> -> memref<832x32xf32, #tpu.memory_space<hbm>>
      tpu.wait_dma2 semaphore(%run_scoped3A : memref<!tpu.dma_semaphore, #tpu.memory_space<semaphore_mem>>) src(%arg7 : memref<832x32xf32, #tpu.memory_space<vmem>>) dst(%dma_wait3A_200 : memref<832x32xf32, #tpu.memory_space<hbm>>)
      tpu.yield
    }) : () -> ()
    return
  }
}

module attributes {stable_mosaic.version = 14 : i64} {
  func.func @_repack_body(%arg0: i32, %arg1: memref<1x32x100000xf32, #tpu.memory_space<vmem>>, %arg2: memref<128x128xf32, #tpu.memory_space<vmem>>, %arg3: memref<25000x128xf32, #tpu.memory_space<vmem>>) attributes {dimension_semantics = [#tpu.dimension_semantics<arbitrary>], iteration_bounds = array<i64: 26>, scalar_prefetch = 0 : i64, scratch_operands = 0 : i64, tpu.core_type = #tpu.core_type<tc>, window_params = [{transform_indices = @transform_0, window_bounds = array<i64: 1, 32, 100000>}, {pipeline_mode = #tpu.pipeline_mode<synchronous>, transform_indices = @transform_1, window_bounds = array<i64: 128, 128>}, {transform_indices = @transform_2, window_bounds = array<i64: 25000, 128>}]} {
    %get3A = arith.constant 0 : index
    %get3A_0 = arith.constant 0 : index
    %get3A_1 = arith.constant 0 : index
    %get3A_2 = vector.load %arg1[%get3A, %get3A_0, %get3A_1] : memref<1x32x100000xf32, #tpu.memory_space<vmem>>, vector<1x32x100000xf32>
    %get3A_3 = vector.shape_cast %get3A_2 : vector<1x32x100000xf32> to vector<32x100000xf32>
    %get3A_4 = arith.constant 0 : index
    %get3A_5 = arith.constant 0 : index
    %get3A_6 = vector.load %arg2[%get3A_4, %get3A_5] : memref<128x128xf32, #tpu.memory_space<vmem>>, vector<128x128xf32>
    %slice3A = vector.extract_strided_slice %get3A_3 {offsets = [0, 0], sizes = [32, 1000], strides = [1, 1]} : vector<32x100000xf32> to vector<32x1000xf32>
    %slice3A_7 = vector.extract_strided_slice %get3A_3 {offsets = [0, 25000], sizes = [32, 1000], strides = [1, 1]} : vector<32x100000xf32> to vector<32x1000xf32>
    %slice3A_8 = vector.extract_strided_slice %get3A_3 {offsets = [0, 50000], sizes = [32, 1000], strides = [1, 1]} : vector<32x100000xf32> to vector<32x1000xf32>
    %slice3A_9 = vector.extract_strided_slice %get3A_3 {offsets = [0, 75000], sizes = [32, 1000], strides = [1, 1]} : vector<32x100000xf32> to vector<32x1000xf32>
    %concatenate3A = tpu.concatenate %slice3A, %slice3A_7, %slice3A_8, %slice3A_9 in 0 : vector<32x1000xf32>, vector<32x1000xf32>, vector<32x1000xf32>, vector<32x1000xf32> -> vector<128x1000xf32>
    %dot_general3A = arith.constant dense<0.000000e+00> : vector<1000x128xf32>
    %dot_general3A_10 = tpu.matmul %concatenate3A, %get3A_6, %dot_general3A {dimension_numbers = #tpu.dot_dimension_numbers<[0], [0], [1], [1], [0, 1, 1, 1], [], []>, transpose_lhs_hint = false} : vector<128x1000xf32>, vector<128x128xf32>, vector<1000x128xf32> -> vector<1000x128xf32>
    %swap3A = arith.constant 0 : index
    %swap3A_11 = arith.constant 0 : index
    %swap3A_12 = vector.load %arg3[%swap3A, %swap3A_11] : memref<25000x128xf32, #tpu.memory_space<vmem>>, vector<1000x128xf32>
    tpu.vector_store %arg3[%swap3A, %swap3A_11], %dot_general3A_10 {strides = array<i32>} : memref<25000x128xf32, #tpu.memory_space<vmem>>, vector<1000x128xf32>,
    %slice3A_13 = vector.extract_strided_slice %get3A_3 {offsets = [0, 1000], sizes = [32, 1000], strides = [1, 1]} : vector<32x100000xf32> to vector<32x1000xf32>
    %slice3A_14 = vector.extract_strided_slice %get3A_3 {offsets = [0, 26000], sizes = [32, 1000], strides = [1, 1]} : vector<32x100000xf32> to vector<32x1000xf32>
    %slice3A_15 = vector.extract_strided_slice %get3A_3 {offsets = [0, 51000], sizes = [32, 1000], strides = [1, 1]} : vector<32x100000xf32> to vector<32x1000xf32>
    %slice3A_16 = vector.extract_strided_slice %get3A_3 {offsets = [0, 76000], sizes = [32, 1000], strides = [1, 1]} : vector<32x100000xf32> to vector<32x1000xf32>
    %concatenate3A_17 = tpu.concatenate %slice3A_13, %slice3A_14, %slice3A_15, %slice3A_16 in 0 : vector<32x1000xf32>, vector<32x1000xf32>, vector<32x1000xf32>, vector<32x1000xf32> -> vector<128x1000xf32>
    %dot_general3A_18 = arith.constant dense<0.000000e+00> : vector<1000x128xf32>
    %dot_general3A_19 = tpu.matmul %concatenate3A_17, %get3A_6, %dot_general3A_18 {dimension_numbers = #tpu.dot_dimension_numbers<[0], [0], [1], [1], [0, 1, 1, 1], [], []>, transpose_lhs_hint = false} : vector<128x1000xf32>, vector<128x128xf32>, vector<1000x128xf32> -> vector<1000x128xf32>
    %swap3A_20 = arith.constant 1000 : index
    %swap3A_21 = arith.constant 0 : index
    %swap3A_22 = vector.load %arg3[%swap3A_20, %swap3A_21] : memref<25000x128xf32, #tpu.memory_space<vmem>>, vector<1000x128xf32>
    tpu.vector_store %arg3[%swap3A_20, %swap3A_21], %dot_general3A_19 {strides = array<i32>} : memref<25000x128xf32, #tpu.memory_space<vmem>>, vector<1000x128xf32>,
    %slice3A_23 = vector.extract_strided_slice %get3A_3 {offsets = [0, 2000], sizes = [32, 1000], strides = [1, 1]} : vector<32x100000xf32> to vector<32x1000xf32>
    %slice3A_24 = vector.extract_strided_slice %get3A_3 {offsets = [0, 27000], sizes = [32, 1000], strides = [1, 1]} : vector<32x100000xf32> to vector<32x1000xf32>
    %slice3A_25 = vector.extract_strided_slice %get3A_3 {offsets = [0, 52000], sizes = [32, 1000], strides = [1, 1]} : vector<32x100000xf32> to vector<32x1000xf32>
    %slice3A_26 = vector.extract_strided_slice %get3A_3 {offsets = [0, 77000], sizes = [32, 1000], strides = [1, 1]} : vector<32x100000xf32> to vector<32x1000xf32>
    %concatenate3A_27 = tpu.concatenate %slice3A_23, %slice3A_24, %slice3A_25, %slice3A_26 in 0 : vector<32x1000xf32>, vector<32x1000xf32>, vector<32x1000xf32>, vector<32x1000xf32> -> vector<128x1000xf32>
    %dot_general3A_28 = arith.constant dense<0.000000e+00> : vector<1000x128xf32>
    %dot_general3A_29 = tpu.matmul %concatenate3A_27, %get3A_6, %dot_general3A_28 {dimension_numbers = #tpu.dot_dimension_numbers<[0], [0], [1], [1], [0, 1, 1, 1], [], []>, transpose_lhs_hint = false} : vector<128x1000xf32>, vector<128x128xf32>, vector<1000x128xf32> -> vector<1000x128xf32>
    %swap3A_30 = arith.constant 2000 : index
    %swap3A_31 = arith.constant 0 : index
    %swap3A_32 = vector.load %arg3[%swap3A_30, %swap3A_31] : memref<25000x128xf32, #tpu.memory_space<vmem>>, vector<1000x128xf32>
    tpu.vector_store %arg3[%swap3A_30, %swap3A_31], %dot_general3A_29 {strides = array<i32>} : memref<25000x128xf32, #tpu.memory_space<vmem>>, vector<1000x128xf32>,
    %slice3A_33 = vector.extract_strided_slice %get3A_3 {offsets = [0, 3000], sizes = [32, 1000], strides = [1, 1]} : vector<32x100000xf32> to vector<32x1000xf32>
    %slice3A_34 = vector.extract_strided_slice %get3A_3 {offsets = [0, 28000], sizes = [32, 1000], strides = [1, 1]} : vector<32x100000xf32> to vector<32x1000xf32>
    %slice3A_35 = vector.extract_strided_slice %get3A_3 {offsets = [0, 53000], sizes = [32, 1000], strides = [1, 1]} : vector<32x100000xf32> to vector<32x1000xf32>
    %slice3A_36 = vector.extract_strided_slice %get3A_3 {offsets = [0, 78000], sizes = [32, 1000], strides = [1, 1]} : vector<32x100000xf32> to vector<32x1000xf32>
    %concatenate3A_37 = tpu.concatenate %slice3A_33, %slice3A_34, %slice3A_35, %slice3A_36 in 0 : vector<32x1000xf32>, vector<32x1000xf32>, vector<32x1000xf32>, vector<32x1000xf32> -> vector<128x1000xf32>
    %dot_general3A_38 = arith.constant dense<0.000000e+00> : vector<1000x128xf32>
    %dot_general3A_39 = tpu.matmul %concatenate3A_37, %get3A_6, %dot_general3A_38 {dimension_numbers = #tpu.dot_dimension_numbers<[0], [0], [1], [1], [0, 1, 1, 1], [], []>, transpose_lhs_hint = false} : vector<128x1000xf32>, vector<128x128xf32>, vector<1000x128xf32> -> vector<1000x128xf32>
    %swap3A_40 = arith.constant 3000 : index
    %swap3A_41 = arith.constant 0 : index
    %swap3A_42 = vector.load %arg3[%swap3A_40, %swap3A_41] : memref<25000x128xf32, #tpu.memory_space<vmem>>, vector<1000x128xf32>
    tpu.vector_store %arg3[%swap3A_40, %swap3A_41], %dot_general3A_39 {strides = array<i32>} : memref<25000x128xf32, #tpu.memory_space<vmem>>, vector<1000x128xf32>,
    %slice3A_43 = vector.extract_strided_slice %get3A_3 {offsets = [0, 4000], sizes = [32, 1000], strides = [1, 1]} : vector<32x100000xf32> to vector<32x1000xf32>
    %slice3A_44 = vector.extract_strided_slice %get3A_3 {offsets = [0, 29000], sizes = [32, 1000], strides = [1, 1]} : vector<32x100000xf32> to vector<32x1000xf32>
    %slice3A_45 = vector.extract_strided_slice %get3A_3 {offsets = [0, 54000], sizes = [32, 1000], strides = [1, 1]} : vector<32x100000xf32> to vector<32x1000xf32>
    %slice3A_46 = vector.extract_strided_slice %get3A_3 {offsets = [0, 79000], sizes = [32, 1000], strides = [1, 1]} : vector<32x100000xf32> to vector<32x1000xf32>
    %concatenate3A_47 = tpu.concatenate %slice3A_43, %slice3A_44, %slice3A_45, %slice3A_46 in 0 : vector<32x1000xf32>, vector<32x1000xf32>, vector<32x1000xf32>, vector<32x1000xf32> -> vector<128x1000xf32>
    %dot_general3A_48 = arith.constant dense<0.000000e+00> : vector<1000x128xf32>
    %dot_general3A_49 = tpu.matmul %concatenate3A_47, %get3A_6, %dot_general3A_48 {dimension_numbers = #tpu.dot_dimension_numbers<[0], [0], [1], [1], [0, 1, 1, 1], [], []>, transpose_lhs_hint = false} : vector<128x1000xf32>, vector<128x128xf32>, vector<1000x128xf32> -> vector<1000x128xf32>
    %swap3A_50 = arith.constant 4000 : index
    %swap3A_51 = arith.constant 0 : index
    %swap3A_52 = vector.load %arg3[%swap3A_50, %swap3A_51] : memref<25000x128xf32, #tpu.memory_space<vmem>>, vector<1000x128xf32>
    tpu.vector_store %arg3[%swap3A_50, %swap3A_51], %dot_general3A_49 {strides = array<i32>} : memref<25000x128xf32, #tpu.memory_space<vmem>>, vector<1000x128xf32>,
    %slice3A_53 = vector.extract_strided_slice %get3A_3 {offsets = [0, 5000], sizes = [32, 1000], strides = [1, 1]} : vector<32x100000xf32> to vector<32x1000xf32>
    %slice3A_54 = vector.extract_strided_slice %get3A_3 {offsets = [0, 30000], sizes = [32, 1000], strides = [1, 1]} : vector<32x100000xf32> to vector<32x1000xf32>
    %slice3A_55 = vector.extract_strided_slice %get3A_3 {offsets = [0, 55000], sizes = [32, 1000], strides = [1, 1]} : vector<32x100000xf32> to vector<32x1000xf32>
    %slice3A_56 = vector.extract_strided_slice %get3A_3 {offsets = [0, 80000], sizes = [32, 1000], strides = [1, 1]} : vector<32x100000xf32> to vector<32x1000xf32>
    %concatenate3A_57 = tpu.concatenate %slice3A_53, %slice3A_54, %slice3A_55, %slice3A_56 in 0 : vector<32x1000xf32>, vector<32x1000xf32>, vector<32x1000xf32>, vector<32x1000xf32> -> vector<128x1000xf32>
    %dot_general3A_58 = arith.constant dense<0.000000e+00> : vector<1000x128xf32>
    %dot_general3A_59 = tpu.matmul %concatenate3A_57, %get3A_6, %dot_general3A_58 {dimension_numbers = #tpu.dot_dimension_numbers<[0], [0], [1], [1], [0, 1, 1, 1], [], []>, transpose_lhs_hint = false} : vector<128x1000xf32>, vector<128x128xf32>, vector<1000x128xf32> -> vector<1000x128xf32>
    %swap3A_60 = arith.constant 5000 : index
    %swap3A_61 = arith.constant 0 : index
    %swap3A_62 = vector.load %arg3[%swap3A_60, %swap3A_61] : memref<25000x128xf32, #tpu.memory_space<vmem>>, vector<1000x128xf32>
    tpu.vector_store %arg3[%swap3A_60, %swap3A_61], %dot_general3A_59 {strides = array<i32>} : memref<25000x128xf32, #tpu.memory_space<vmem>>, vector<1000x128xf32>,
    %slice3A_63 = vector.extract_strided_slice %get3A_3 {offsets = [0, 6000], sizes = [32, 1000], strides = [1, 1]} : vector<32x100000xf32> to vector<32x1000xf32>
    %slice3A_64 = vector.extract_strided_slice %get3A_3 {offsets = [0, 31000], sizes = [32, 1000], strides = [1, 1]} : vector<32x100000xf32> to vector<32x1000xf32>
    %slice3A_65 = vector.extract_strided_slice %get3A_3 {offsets = [0, 56000], sizes = [32, 1000], strides = [1, 1]} : vector<32x100000xf32> to vector<32x1000xf32>
    %slice3A_66 = vector.extract_strided_slice %get3A_3 {offsets = [0, 81000], sizes = [32, 1000], strides = [1, 1]} : vector<32x100000xf32> to vector<32x1000xf32>
    %concatenate3A_67 = tpu.concatenate %slice3A_63, %slice3A_64, %slice3A_65, %slice3A_66 in 0 : vector<32x1000xf32>, vector<32x1000xf32>, vector<32x1000xf32>, vector<32x1000xf32> -> vector<128x1000xf32>
    %dot_general3A_68 = arith.constant dense<0.000000e+00> : vector<1000x128xf32>
    %dot_general3A_69 = tpu.matmul %concatenate3A_67, %get3A_6, %dot_general3A_68 {dimension_numbers = #tpu.dot_dimension_numbers<[0], [0], [1], [1], [0, 1, 1, 1], [], []>, transpose_lhs_hint = false} : vector<128x1000xf32>, vector<128x128xf32>, vector<1000x128xf32> -> vector<1000x128xf32>
    %swap3A_70 = arith.constant 6000 : index
    %swap3A_71 = arith.constant 0 : index
    %swap3A_72 = vector.load %arg3[%swap3A_70, %swap3A_71] : memref<25000x128xf32, #tpu.memory_space<vmem>>, vector<1000x128xf32>
    tpu.vector_store %arg3[%swap3A_70, %swap3A_71], %dot_general3A_69 {strides = array<i32>} : memref<25000x128xf32, #tpu.memory_space<vmem>>, vector<1000x128xf32>,
    %slice3A_73 = vector.extract_strided_slice %get3A_3 {offsets = [0, 7000], sizes = [32, 1000], strides = [1, 1]} : vector<32x100000xf32> to vector<32x1000xf32>
    %slice3A_74 = vector.extract_strided_slice %get3A_3 {offsets = [0, 32000], sizes = [32, 1000], strides = [1, 1]} : vector<32x100000xf32> to vector<32x1000xf32>
    %slice3A_75 = vector.extract_strided_slice %get3A_3 {offsets = [0, 57000], sizes = [32, 1000], strides = [1, 1]} : vector<32x100000xf32> to vector<32x1000xf32>
    %slice3A_76 = vector.extract_strided_slice %get3A_3 {offsets = [0, 82000], sizes = [32, 1000], strides = [1, 1]} : vector<32x100000xf32> to vector<32x1000xf32>
    %concatenate3A_77 = tpu.concatenate %slice3A_73, %slice3A_74, %slice3A_75, %slice3A_76 in 0 : vector<32x1000xf32>, vector<32x1000xf32>, vector<32x1000xf32>, vector<32x1000xf32> -> vector<128x1000xf32>
    %dot_general3A_78 = arith.constant dense<0.000000e+00> : vector<1000x128xf32>
    %dot_general3A_79 = tpu.matmul %concatenate3A_77, %get3A_6, %dot_general3A_78 {dimension_numbers = #tpu.dot_dimension_numbers<[0], [0], [1], [1], [0, 1, 1, 1], [], []>, transpose_lhs_hint = false} : vector<128x1000xf32>, vector<128x128xf32>, vector<1000x128xf32> -> vector<1000x128xf32>
    %swap3A_80 = arith.constant 7000 : index
    %swap3A_81 = arith.constant 0 : index
    %swap3A_82 = vector.load %arg3[%swap3A_80, %swap3A_81] : memref<25000x128xf32, #tpu.memory_space<vmem>>, vector<1000x128xf32>
    tpu.vector_store %arg3[%swap3A_80, %swap3A_81], %dot_general3A_79 {strides = array<i32>} : memref<25000x128xf32, #tpu.memory_space<vmem>>, vector<1000x128xf32>,
    %slice3A_83 = vector.extract_strided_slice %get3A_3 {offsets = [0, 8000], sizes = [32, 1000], strides = [1, 1]} : vector<32x100000xf32> to vector<32x1000xf32>
    %slice3A_84 = vector.extract_strided_slice %get3A_3 {offsets = [0, 33000], sizes = [32, 1000], strides = [1, 1]} : vector<32x100000xf32> to vector<32x1000xf32>
    %slice3A_85 = vector.extract_strided_slice %get3A_3 {offsets = [0, 58000], sizes = [32, 1000], strides = [1, 1]} : vector<32x100000xf32> to vector<32x1000xf32>
    %slice3A_86 = vector.extract_strided_slice %get3A_3 {offsets = [0, 83000], sizes = [32, 1000], strides = [1, 1]} : vector<32x100000xf32> to vector<32x1000xf32>
    %concatenate3A_87 = tpu.concatenate %slice3A_83, %slice3A_84, %slice3A_85, %slice3A_86 in 0 : vector<32x1000xf32>, vector<32x1000xf32>, vector<32x1000xf32>, vector<32x1000xf32> -> vector<128x1000xf32>
    %dot_general3A_88 = arith.constant dense<0.000000e+00> : vector<1000x128xf32>
    %dot_general3A_89 = tpu.matmul %concatenate3A_87, %get3A_6, %dot_general3A_88 {dimension_numbers = #tpu.dot_dimension_numbers<[0], [0], [1], [1], [0, 1, 1, 1], [], []>, transpose_lhs_hint = false} : vector<128x1000xf32>, vector<128x128xf32>, vector<1000x128xf32> -> vector<1000x128xf32>
    %swap3A_90 = arith.constant 8000 : index
    %swap3A_91 = arith.constant 0 : index
    %swap3A_92 = vector.load %arg3[%swap3A_90, %swap3A_91] : memref<25000x128xf32, #tpu.memory_space<vmem>>, vector<1000x128xf32>
    tpu.vector_store %arg3[%swap3A_90, %swap3A_91], %dot_general3A_89 {strides = array<i32>} : memref<25000x128xf32, #tpu.memory_space<vmem>>, vector<1000x128xf32>,
    %slice3A_93 = vector.extract_strided_slice %get3A_3 {offsets = [0, 9000], sizes = [32, 1000], strides = [1, 1]} : vector<32x100000xf32> to vector<32x1000xf32>
    %slice3A_94 = vector.extract_strided_slice %get3A_3 {offsets = [0, 34000], sizes = [32, 1000], strides = [1, 1]} : vector<32x100000xf32> to vector<32x1000xf32>
    %slice3A_95 = vector.extract_strided_slice %get3A_3 {offsets = [0, 59000], sizes = [32, 1000], strides = [1, 1]} : vector<32x100000xf32> to vector<32x1000xf32>
    %slice3A_96 = vector.extract_strided_slice %get3A_3 {offsets = [0, 84000], sizes = [32, 1000], strides = [1, 1]} : vector<32x100000xf32> to vector<32x1000xf32>
    %concatenate3A_97 = tpu.concatenate %slice3A_93, %slice3A_94, %slice3A_95, %slice3A_96 in 0 : vector<32x1000xf32>, vector<32x1000xf32>, vector<32x1000xf32>, vector<32x1000xf32> -> vector<128x1000xf32>
    %dot_general3A_98 = arith.constant dense<0.000000e+00> : vector<1000x128xf32>
    %dot_general3A_99 = tpu.matmul %concatenate3A_97, %get3A_6, %dot_general3A_98 {dimension_numbers = #tpu.dot_dimension_numbers<[0], [0], [1], [1], [0, 1, 1, 1], [], []>, transpose_lhs_hint = false} : vector<128x1000xf32>, vector<128x128xf32>, vector<1000x128xf32> -> vector<1000x128xf32>
    %swap3A_100 = arith.constant 9000 : index
    %swap3A_101 = arith.constant 0 : index
    %swap3A_102 = vector.load %arg3[%swap3A_100, %swap3A_101] : memref<25000x128xf32, #tpu.memory_space<vmem>>, vector<1000x128xf32>
    tpu.vector_store %arg3[%swap3A_100, %swap3A_101], %dot_general3A_99 {strides = array<i32>} : memref<25000x128xf32, #tpu.memory_space<vmem>>, vector<1000x128xf32>,
    %slice3A_103 = vector.extract_strided_slice %get3A_3 {offsets = [0, 10000], sizes = [32, 1000], strides = [1, 1]} : vector<32x100000xf32> to vector<32x1000xf32>
    %slice3A_104 = vector.extract_strided_slice %get3A_3 {offsets = [0, 35000], sizes = [32, 1000], strides = [1, 1]} : vector<32x100000xf32> to vector<32x1000xf32>
    %slice3A_105 = vector.extract_strided_slice %get3A_3 {offsets = [0, 60000], sizes = [32, 1000], strides = [1, 1]} : vector<32x100000xf32> to vector<32x1000xf32>
    %slice3A_106 = vector.extract_strided_slice %get3A_3 {offsets = [0, 85000], sizes = [32, 1000], strides = [1, 1]} : vector<32x100000xf32> to vector<32x1000xf32>
    %concatenate3A_107 = tpu.concatenate %slice3A_103, %slice3A_104, %slice3A_105, %slice3A_106 in 0 : vector<32x1000xf32>, vector<32x1000xf32>, vector<32x1000xf32>, vector<32x1000xf32> -> vector<128x1000xf32>
    %dot_general3A_108 = arith.constant dense<0.000000e+00> : vector<1000x128xf32>
    %dot_general3A_109 = tpu.matmul %concatenate3A_107, %get3A_6, %dot_general3A_108 {dimension_numbers = #tpu.dot_dimension_numbers<[0], [0], [1], [1], [0, 1, 1, 1], [], []>, transpose_lhs_hint = false} : vector<128x1000xf32>, vector<128x128xf32>, vector<1000x128xf32> -> vector<1000x128xf32>
    %swap3A_110 = arith.constant 10000 : index
    %swap3A_111 = arith.constant 0 : index
    %swap3A_112 = vector.load %arg3[%swap3A_110, %swap3A_111] : memref<25000x128xf32, #tpu.memory_space<vmem>>, vector<1000x128xf32>
    tpu.vector_store %arg3[%swap3A_110, %swap3A_111], %dot_general3A_109 {strides = array<i32>} : memref<25000x128xf32, #tpu.memory_space<vmem>>, vector<1000x128xf32>,
    %slice3A_113 = vector.extract_strided_slice %get3A_3 {offsets = [0, 11000], sizes = [32, 1000], strides = [1, 1]} : vector<32x100000xf32> to vector<32x1000xf32>
    %slice3A_114 = vector.extract_strided_slice %get3A_3 {offsets = [0, 36000], sizes = [32, 1000], strides = [1, 1]} : vector<32x100000xf32> to vector<32x1000xf32>
    %slice3A_115 = vector.extract_strided_slice %get3A_3 {offsets = [0, 61000], sizes = [32, 1000], strides = [1, 1]} : vector<32x100000xf32> to vector<32x1000xf32>
    %slice3A_116 = vector.extract_strided_slice %get3A_3 {offsets = [0, 86000], sizes = [32, 1000], strides = [1, 1]} : vector<32x100000xf32> to vector<32x1000xf32>
    %concatenate3A_117 = tpu.concatenate %slice3A_113, %slice3A_114, %slice3A_115, %slice3A_116 in 0 : vector<32x1000xf32>, vector<32x1000xf32>, vector<32x1000xf32>, vector<32x1000xf32> -> vector<128x1000xf32>
    %dot_general3A_118 = arith.constant dense<0.000000e+00> : vector<1000x128xf32>
    %dot_general3A_119 = tpu.matmul %concatenate3A_117, %get3A_6, %dot_general3A_118 {dimension_numbers = #tpu.dot_dimension_numbers<[0], [0], [1], [1], [0, 1, 1, 1], [], []>, transpose_lhs_hint = false} : vector<128x1000xf32>, vector<128x128xf32>, vector<1000x128xf32> -> vector<1000x128xf32>
    %swap3A_120 = arith.constant 11000 : index
    %swap3A_121 = arith.constant 0 : index
    %swap3A_122 = vector.load %arg3[%swap3A_120, %swap3A_121] : memref<25000x128xf32, #tpu.memory_space<vmem>>, vector<1000x128xf32>
    tpu.vector_store %arg3[%swap3A_120, %swap3A_121], %dot_general3A_119 {strides = array<i32>} : memref<25000x128xf32, #tpu.memory_space<vmem>>, vector<1000x128xf32>,
    %slice3A_123 = vector.extract_strided_slice %get3A_3 {offsets = [0, 12000], sizes = [32, 1000], strides = [1, 1]} : vector<32x100000xf32> to vector<32x1000xf32>
    %slice3A_124 = vector.extract_strided_slice %get3A_3 {offsets = [0, 37000], sizes = [32, 1000], strides = [1, 1]} : vector<32x100000xf32> to vector<32x1000xf32>
    %slice3A_125 = vector.extract_strided_slice %get3A_3 {offsets = [0, 62000], sizes = [32, 1000], strides = [1, 1]} : vector<32x100000xf32> to vector<32x1000xf32>
    %slice3A_126 = vector.extract_strided_slice %get3A_3 {offsets = [0, 87000], sizes = [32, 1000], strides = [1, 1]} : vector<32x100000xf32> to vector<32x1000xf32>
    %concatenate3A_127 = tpu.concatenate %slice3A_123, %slice3A_124, %slice3A_125, %slice3A_126 in 0 : vector<32x1000xf32>, vector<32x1000xf32>, vector<32x1000xf32>, vector<32x1000xf32> -> vector<128x1000xf32>
    %dot_general3A_128 = arith.constant dense<0.000000e+00> : vector<1000x128xf32>
    %dot_general3A_129 = tpu.matmul %concatenate3A_127, %get3A_6, %dot_general3A_128 {dimension_numbers = #tpu.dot_dimension_numbers<[0], [0], [1], [1], [0, 1, 1, 1], [], []>, transpose_lhs_hint = false} : vector<128x1000xf32>, vector<128x128xf32>, vector<1000x128xf32> -> vector<1000x128xf32>
    %swap3A_130 = arith.constant 12000 : index
    %swap3A_131 = arith.constant 0 : index
    %swap3A_132 = vector.load %arg3[%swap3A_130, %swap3A_131] : memref<25000x128xf32, #tpu.memory_space<vmem>>, vector<1000x128xf32>
    tpu.vector_store %arg3[%swap3A_130, %swap3A_131], %dot_general3A_129 {strides = array<i32>} : memref<25000x128xf32, #tpu.memory_space<vmem>>, vector<1000x128xf32>,
    %slice3A_133 = vector.extract_strided_slice %get3A_3 {offsets = [0, 13000], sizes = [32, 1000], strides = [1, 1]} : vector<32x100000xf32> to vector<32x1000xf32>
    %slice3A_134 = vector.extract_strided_slice %get3A_3 {offsets = [0, 38000], sizes = [32, 1000], strides = [1, 1]} : vector<32x100000xf32> to vector<32x1000xf32>
    %slice3A_135 = vector.extract_strided_slice %get3A_3 {offsets = [0, 63000], sizes = [32, 1000], strides = [1, 1]} : vector<32x100000xf32> to vector<32x1000xf32>
    %slice3A_136 = vector.extract_strided_slice %get3A_3 {offsets = [0, 88000], sizes = [32, 1000], strides = [1, 1]} : vector<32x100000xf32> to vector<32x1000xf32>
    %concatenate3A_137 = tpu.concatenate %slice3A_133, %slice3A_134, %slice3A_135, %slice3A_136 in 0 : vector<32x1000xf32>, vector<32x1000xf32>, vector<32x1000xf32>, vector<32x1000xf32> -> vector<128x1000xf32>
    %dot_general3A_138 = arith.constant dense<0.000000e+00> : vector<1000x128xf32>
    %dot_general3A_139 = tpu.matmul %concatenate3A_137, %get3A_6, %dot_general3A_138 {dimension_numbers = #tpu.dot_dimension_numbers<[0], [0], [1], [1], [0, 1, 1, 1], [], []>, transpose_lhs_hint = false} : vector<128x1000xf32>, vector<128x128xf32>, vector<1000x128xf32> -> vector<1000x128xf32>
    %swap3A_140 = arith.constant 13000 : index
    %swap3A_141 = arith.constant 0 : index
    %swap3A_142 = vector.load %arg3[%swap3A_140, %swap3A_141] : memref<25000x128xf32, #tpu.memory_space<vmem>>, vector<1000x128xf32>
    tpu.vector_store %arg3[%swap3A_140, %swap3A_141], %dot_general3A_139 {strides = array<i32>} : memref<25000x128xf32, #tpu.memory_space<vmem>>, vector<1000x128xf32>,
    %slice3A_143 = vector.extract_strided_slice %get3A_3 {offsets = [0, 14000], sizes = [32, 1000], strides = [1, 1]} : vector<32x100000xf32> to vector<32x1000xf32>
    %slice3A_144 = vector.extract_strided_slice %get3A_3 {offsets = [0, 39000], sizes = [32, 1000], strides = [1, 1]} : vector<32x100000xf32> to vector<32x1000xf32>
    %slice3A_145 = vector.extract_strided_slice %get3A_3 {offsets = [0, 64000], sizes = [32, 1000], strides = [1, 1]} : vector<32x100000xf32> to vector<32x1000xf32>
    %slice3A_146 = vector.extract_strided_slice %get3A_3 {offsets = [0, 89000], sizes = [32, 1000], strides = [1, 1]} : vector<32x100000xf32> to vector<32x1000xf32>
    %concatenate3A_147 = tpu.concatenate %slice3A_143, %slice3A_144, %slice3A_145, %slice3A_146 in 0 : vector<32x1000xf32>, vector<32x1000xf32>, vector<32x1000xf32>, vector<32x1000xf32> -> vector<128x1000xf32>
    %dot_general3A_148 = arith.constant dense<0.000000e+00> : vector<1000x128xf32>
    %dot_general3A_149 = tpu.matmul %concatenate3A_147, %get3A_6, %dot_general3A_148 {dimension_numbers = #tpu.dot_dimension_numbers<[0], [0], [1], [1], [0, 1, 1, 1], [], []>, transpose_lhs_hint = false} : vector<128x1000xf32>, vector<128x128xf32>, vector<1000x128xf32> -> vector<1000x128xf32>
    %swap3A_150 = arith.constant 14000 : index
    %swap3A_151 = arith.constant 0 : index
    %swap3A_152 = vector.load %arg3[%swap3A_150, %swap3A_151] : memref<25000x128xf32, #tpu.memory_space<vmem>>, vector<1000x128xf32>
    tpu.vector_store %arg3[%swap3A_150, %swap3A_151], %dot_general3A_149 {strides = array<i32>} : memref<25000x128xf32, #tpu.memory_space<vmem>>, vector<1000x128xf32>,
    %slice3A_153 = vector.extract_strided_slice %get3A_3 {offsets = [0, 15000], sizes = [32, 1000], strides = [1, 1]} : vector<32x100000xf32> to vector<32x1000xf32>
    %slice3A_154 = vector.extract_strided_slice %get3A_3 {offsets = [0, 40000], sizes = [32, 1000], strides = [1, 1]} : vector<32x100000xf32> to vector<32x1000xf32>
    %slice3A_155 = vector.extract_strided_slice %get3A_3 {offsets = [0, 65000], sizes = [32, 1000], strides = [1, 1]} : vector<32x100000xf32> to vector<32x1000xf32>
    %slice3A_156 = vector.extract_strided_slice %get3A_3 {offsets = [0, 90000], sizes = [32, 1000], strides = [1, 1]} : vector<32x100000xf32> to vector<32x1000xf32>
    %concatenate3A_157 = tpu.concatenate %slice3A_153, %slice3A_154, %slice3A_155, %slice3A_156 in 0 : vector<32x1000xf32>, vector<32x1000xf32>, vector<32x1000xf32>, vector<32x1000xf32> -> vector<128x1000xf32>
    %dot_general3A_158 = arith.constant dense<0.000000e+00> : vector<1000x128xf32>
    %dot_general3A_159 = tpu.matmul %concatenate3A_157, %get3A_6, %dot_general3A_158 {dimension_numbers = #tpu.dot_dimension_numbers<[0], [0], [1], [1], [0, 1, 1, 1], [], []>, transpose_lhs_hint = false} : vector<128x1000xf32>, vector<128x128xf32>, vector<1000x128xf32> -> vector<1000x128xf32>
    %swap3A_160 = arith.constant 15000 : index
    %swap3A_161 = arith.constant 0 : index
    %swap3A_162 = vector.load %arg3[%swap3A_160, %swap3A_161] : memref<25000x128xf32, #tpu.memory_space<vmem>>, vector<1000x128xf32>
    tpu.vector_store %arg3[%swap3A_160, %swap3A_161], %dot_general3A_159 {strides = array<i32>} : memref<25000x128xf32, #tpu.memory_space<vmem>>, vector<1000x128xf32>,
    %slice3A_163 = vector.extract_strided_slice %get3A_3 {offsets = [0, 16000], sizes = [32, 1000], strides = [1, 1]} : vector<32x100000xf32> to vector<32x1000xf32>
    %slice3A_164 = vector.extract_strided_slice %get3A_3 {offsets = [0, 41000], sizes = [32, 1000], strides = [1, 1]} : vector<32x100000xf32> to vector<32x1000xf32>
    %slice3A_165 = vector.extract_strided_slice %get3A_3 {offsets = [0, 66000], sizes = [32, 1000], strides = [1, 1]} : vector<32x100000xf32> to vector<32x1000xf32>
    %slice3A_166 = vector.extract_strided_slice %get3A_3 {offsets = [0, 91000], sizes = [32, 1000], strides = [1, 1]} : vector<32x100000xf32> to vector<32x1000xf32>
    %concatenate3A_167 = tpu.concatenate %slice3A_163, %slice3A_164, %slice3A_165, %slice3A_166 in 0 : vector<32x1000xf32>, vector<32x1000xf32>, vector<32x1000xf32>, vector<32x1000xf32> -> vector<128x1000xf32>
    %dot_general3A_168 = arith.constant dense<0.000000e+00> : vector<1000x128xf32>
    %dot_general3A_169 = tpu.matmul %concatenate3A_167, %get3A_6, %dot_general3A_168 {dimension_numbers = #tpu.dot_dimension_numbers<[0], [0], [1], [1], [0, 1, 1, 1], [], []>, transpose_lhs_hint = false} : vector<128x1000xf32>, vector<128x128xf32>, vector<1000x128xf32> -> vector<1000x128xf32>
    %swap3A_170 = arith.constant 16000 : index
    %swap3A_171 = arith.constant 0 : index
    %swap3A_172 = vector.load %arg3[%swap3A_170, %swap3A_171] : memref<25000x128xf32, #tpu.memory_space<vmem>>, vector<1000x128xf32>
    tpu.vector_store %arg3[%swap3A_170, %swap3A_171], %dot_general3A_169 {strides = array<i32>} : memref<25000x128xf32, #tpu.memory_space<vmem>>, vector<1000x128xf32>,
    %slice3A_173 = vector.extract_strided_slice %get3A_3 {offsets = [0, 17000], sizes = [32, 1000], strides = [1, 1]} : vector<32x100000xf32> to vector<32x1000xf32>
    %slice3A_174 = vector.extract_strided_slice %get3A_3 {offsets = [0, 42000], sizes = [32, 1000], strides = [1, 1]} : vector<32x100000xf32> to vector<32x1000xf32>
    %slice3A_175 = vector.extract_strided_slice %get3A_3 {offsets = [0, 67000], sizes = [32, 1000], strides = [1, 1]} : vector<32x100000xf32> to vector<32x1000xf32>
    %slice3A_176 = vector.extract_strided_slice %get3A_3 {offsets = [0, 92000], sizes = [32, 1000], strides = [1, 1]} : vector<32x100000xf32> to vector<32x1000xf32>
    %concatenate3A_177 = tpu.concatenate %slice3A_173, %slice3A_174, %slice3A_175, %slice3A_176 in 0 : vector<32x1000xf32>, vector<32x1000xf32>, vector<32x1000xf32>, vector<32x1000xf32> -> vector<128x1000xf32>
    %dot_general3A_178 = arith.constant dense<0.000000e+00> : vector<1000x128xf32>
    %dot_general3A_179 = tpu.matmul %concatenate3A_177, %get3A_6, %dot_general3A_178 {dimension_numbers = #tpu.dot_dimension_numbers<[0], [0], [1], [1], [0, 1, 1, 1], [], []>, transpose_lhs_hint = false} : vector<128x1000xf32>, vector<128x128xf32>, vector<1000x128xf32> -> vector<1000x128xf32>
    %swap3A_180 = arith.constant 17000 : index
    %swap3A_181 = arith.constant 0 : index
    %swap3A_182 = vector.load %arg3[%swap3A_180, %swap3A_181] : memref<25000x128xf32, #tpu.memory_space<vmem>>, vector<1000x128xf32>
    tpu.vector_store %arg3[%swap3A_180, %swap3A_181], %dot_general3A_179 {strides = array<i32>} : memref<25000x128xf32, #tpu.memory_space<vmem>>, vector<1000x128xf32>,
    %slice3A_183 = vector.extract_strided_slice %get3A_3 {offsets = [0, 18000], sizes = [32, 1000], strides = [1, 1]} : vector<32x100000xf32> to vector<32x1000xf32>
    %slice3A_184 = vector.extract_strided_slice %get3A_3 {offsets = [0, 43000], sizes = [32, 1000], strides = [1, 1]} : vector<32x100000xf32> to vector<32x1000xf32>
    %slice3A_185 = vector.extract_strided_slice %get3A_3 {offsets = [0, 68000], sizes = [32, 1000], strides = [1, 1]} : vector<32x100000xf32> to vector<32x1000xf32>
    %slice3A_186 = vector.extract_strided_slice %get3A_3 {offsets = [0, 93000], sizes = [32, 1000], strides = [1, 1]} : vector<32x100000xf32> to vector<32x1000xf32>
    %concatenate3A_187 = tpu.concatenate %slice3A_183, %slice3A_184, %slice3A_185, %slice3A_186 in 0 : vector<32x1000xf32>, vector<32x1000xf32>, vector<32x1000xf32>, vector<32x1000xf32> -> vector<128x1000xf32>
    %dot_general3A_188 = arith.constant dense<0.000000e+00> : vector<1000x128xf32>
    %dot_general3A_189 = tpu.matmul %concatenate3A_187, %get3A_6, %dot_general3A_188 {dimension_numbers = #tpu.dot_dimension_numbers<[0], [0], [1], [1], [0, 1, 1, 1], [], []>, transpose_lhs_hint = false} : vector<128x1000xf32>, vector<128x128xf32>, vector<1000x128xf32> -> vector<1000x128xf32>
    %swap3A_190 = arith.constant 18000 : index
    %swap3A_191 = arith.constant 0 : index
    %swap3A_192 = vector.load %arg3[%swap3A_190, %swap3A_191] : memref<25000x128xf32, #tpu.memory_space<vmem>>, vector<1000x128xf32>
    tpu.vector_store %arg3[%swap3A_190, %swap3A_191], %dot_general3A_189 {strides = array<i32>} : memref<25000x128xf32, #tpu.memory_space<vmem>>, vector<1000x128xf32>,
    %slice3A_193 = vector.extract_strided_slice %get3A_3 {offsets = [0, 19000], sizes = [32, 1000], strides = [1, 1]} : vector<32x100000xf32> to vector<32x1000xf32>
    %slice3A_194 = vector.extract_strided_slice %get3A_3 {offsets = [0, 44000], sizes = [32, 1000], strides = [1, 1]} : vector<32x100000xf32> to vector<32x1000xf32>
    %slice3A_195 = vector.extract_strided_slice %get3A_3 {offsets = [0, 69000], sizes = [32, 1000], strides = [1, 1]} : vector<32x100000xf32> to vector<32x1000xf32>
    %slice3A_196 = vector.extract_strided_slice %get3A_3 {offsets = [0, 94000], sizes = [32, 1000], strides = [1, 1]} : vector<32x100000xf32> to vector<32x1000xf32>
    %concatenate3A_197 = tpu.concatenate %slice3A_193, %slice3A_194, %slice3A_195, %slice3A_196 in 0 : vector<32x1000xf32>, vector<32x1000xf32>, vector<32x1000xf32>, vector<32x1000xf32> -> vector<128x1000xf32>
    %dot_general3A_198 = arith.constant dense<0.000000e+00> : vector<1000x128xf32>
    %dot_general3A_199 = tpu.matmul %concatenate3A_197, %get3A_6, %dot_general3A_198 {dimension_numbers = #tpu.dot_dimension_numbers<[0], [0], [1], [1], [0, 1, 1, 1], [], []>, transpose_lhs_hint = false} : vector<128x1000xf32>, vector<128x128xf32>, vector<1000x128xf32> -> vector<1000x128xf32>
    %swap3A_200 = arith.constant 19000 : index
    %swap3A_201 = arith.constant 0 : index
    %swap3A_202 = vector.load %arg3[%swap3A_200, %swap3A_201] : memref<25000x128xf32, #tpu.memory_space<vmem>>, vector<1000x128xf32>
    tpu.vector_store %arg3[%swap3A_200, %swap3A_201], %dot_general3A_199 {strides = array<i32>} : memref<25000x128xf32, #tpu.memory_space<vmem>>, vector<1000x128xf32>,
    %slice3A_203 = vector.extract_strided_slice %get3A_3 {offsets = [0, 20000], sizes = [32, 1000], strides = [1, 1]} : vector<32x100000xf32> to vector<32x1000xf32>
    %slice3A_204 = vector.extract_strided_slice %get3A_3 {offsets = [0, 45000], sizes = [32, 1000], strides = [1, 1]} : vector<32x100000xf32> to vector<32x1000xf32>
    %slice3A_205 = vector.extract_strided_slice %get3A_3 {offsets = [0, 70000], sizes = [32, 1000], strides = [1, 1]} : vector<32x100000xf32> to vector<32x1000xf32>
    %slice3A_206 = vector.extract_strided_slice %get3A_3 {offsets = [0, 95000], sizes = [32, 1000], strides = [1, 1]} : vector<32x100000xf32> to vector<32x1000xf32>
    %concatenate3A_207 = tpu.concatenate %slice3A_203, %slice3A_204, %slice3A_205, %slice3A_206 in 0 : vector<32x1000xf32>, vector<32x1000xf32>, vector<32x1000xf32>, vector<32x1000xf32> -> vector<128x1000xf32>
    %dot_general3A_208 = arith.constant dense<0.000000e+00> : vector<1000x128xf32>
    %dot_general3A_209 = tpu.matmul %concatenate3A_207, %get3A_6, %dot_general3A_208 {dimension_numbers = #tpu.dot_dimension_numbers<[0], [0], [1], [1], [0, 1, 1, 1], [], []>, transpose_lhs_hint = false} : vector<128x1000xf32>, vector<128x128xf32>, vector<1000x128xf32> -> vector<1000x128xf32>
    %swap3A_210 = arith.constant 20000 : index
    %swap3A_211 = arith.constant 0 : index
    %swap3A_212 = vector.load %arg3[%swap3A_210, %swap3A_211] : memref<25000x128xf32, #tpu.memory_space<vmem>>, vector<1000x128xf32>
    tpu.vector_store %arg3[%swap3A_210, %swap3A_211], %dot_general3A_209 {strides = array<i32>} : memref<25000x128xf32, #tpu.memory_space<vmem>>, vector<1000x128xf32>,
    %slice3A_213 = vector.extract_strided_slice %get3A_3 {offsets = [0, 21000], sizes = [32, 1000], strides = [1, 1]} : vector<32x100000xf32> to vector<32x1000xf32>
    %slice3A_214 = vector.extract_strided_slice %get3A_3 {offsets = [0, 46000], sizes = [32, 1000], strides = [1, 1]} : vector<32x100000xf32> to vector<32x1000xf32>
    %slice3A_215 = vector.extract_strided_slice %get3A_3 {offsets = [0, 71000], sizes = [32, 1000], strides = [1, 1]} : vector<32x100000xf32> to vector<32x1000xf32>
    %slice3A_216 = vector.extract_strided_slice %get3A_3 {offsets = [0, 96000], sizes = [32, 1000], strides = [1, 1]} : vector<32x100000xf32> to vector<32x1000xf32>
    %concatenate3A_217 = tpu.concatenate %slice3A_213, %slice3A_214, %slice3A_215, %slice3A_216 in 0 : vector<32x1000xf32>, vector<32x1000xf32>, vector<32x1000xf32>, vector<32x1000xf32> -> vector<128x1000xf32>
    %dot_general3A_218 = arith.constant dense<0.000000e+00> : vector<1000x128xf32>
    %dot_general3A_219 = tpu.matmul %concatenate3A_217, %get3A_6, %dot_general3A_218 {dimension_numbers = #tpu.dot_dimension_numbers<[0], [0], [1], [1], [0, 1, 1, 1], [], []>, transpose_lhs_hint = false} : vector<128x1000xf32>, vector<128x128xf32>, vector<1000x128xf32> -> vector<1000x128xf32>
    %swap3A_220 = arith.constant 21000 : index
    %swap3A_221 = arith.constant 0 : index
    %swap3A_222 = vector.load %arg3[%swap3A_220, %swap3A_221] : memref<25000x128xf32, #tpu.memory_space<vmem>>, vector<1000x128xf32>
    tpu.vector_store %arg3[%swap3A_220, %swap3A_221], %dot_general3A_219 {strides = array<i32>} : memref<25000x128xf32, #tpu.memory_space<vmem>>, vector<1000x128xf32>,
    %slice3A_223 = vector.extract_strided_slice %get3A_3 {offsets = [0, 22000], sizes = [32, 1000], strides = [1, 1]} : vector<32x100000xf32> to vector<32x1000xf32>
    %slice3A_224 = vector.extract_strided_slice %get3A_3 {offsets = [0, 47000], sizes = [32, 1000], strides = [1, 1]} : vector<32x100000xf32> to vector<32x1000xf32>
    %slice3A_225 = vector.extract_strided_slice %get3A_3 {offsets = [0, 72000], sizes = [32, 1000], strides = [1, 1]} : vector<32x100000xf32> to vector<32x1000xf32>
    %slice3A_226 = vector.extract_strided_slice %get3A_3 {offsets = [0, 97000], sizes = [32, 1000], strides = [1, 1]} : vector<32x100000xf32> to vector<32x1000xf32>
    %concatenate3A_227 = tpu.concatenate %slice3A_223, %slice3A_224, %slice3A_225, %slice3A_226 in 0 : vector<32x1000xf32>, vector<32x1000xf32>, vector<32x1000xf32>, vector<32x1000xf32> -> vector<128x1000xf32>
    %dot_general3A_228 = arith.constant dense<0.000000e+00> : vector<1000x128xf32>
    %dot_general3A_229 = tpu.matmul %concatenate3A_227, %get3A_6, %dot_general3A_228 {dimension_numbers = #tpu.dot_dimension_numbers<[0], [0], [1], [1], [0, 1, 1, 1], [], []>, transpose_lhs_hint = false} : vector<128x1000xf32>, vector<128x128xf32>, vector<1000x128xf32> -> vector<1000x128xf32>
    %swap3A_230 = arith.constant 22000 : index
    %swap3A_231 = arith.constant 0 : index
    %swap3A_232 = vector.load %arg3[%swap3A_230, %swap3A_231] : memref<25000x128xf32, #tpu.memory_space<vmem>>, vector<1000x128xf32>
    tpu.vector_store %arg3[%swap3A_230, %swap3A_231], %dot_general3A_229 {strides = array<i32>} : memref<25000x128xf32, #tpu.memory_space<vmem>>, vector<1000x128xf32>,
    %slice3A_233 = vector.extract_strided_slice %get3A_3 {offsets = [0, 23000], sizes = [32, 1000], strides = [1, 1]} : vector<32x100000xf32> to vector<32x1000xf32>
    %slice3A_234 = vector.extract_strided_slice %get3A_3 {offsets = [0, 48000], sizes = [32, 1000], strides = [1, 1]} : vector<32x100000xf32> to vector<32x1000xf32>
    %slice3A_235 = vector.extract_strided_slice %get3A_3 {offsets = [0, 73000], sizes = [32, 1000], strides = [1, 1]} : vector<32x100000xf32> to vector<32x1000xf32>
    %slice3A_236 = vector.extract_strided_slice %get3A_3 {offsets = [0, 98000], sizes = [32, 1000], strides = [1, 1]} : vector<32x100000xf32> to vector<32x1000xf32>
    %concatenate3A_237 = tpu.concatenate %slice3A_233, %slice3A_234, %slice3A_235, %slice3A_236 in 0 : vector<32x1000xf32>, vector<32x1000xf32>, vector<32x1000xf32>, vector<32x1000xf32> -> vector<128x1000xf32>
    %dot_general3A_238 = arith.constant dense<0.000000e+00> : vector<1000x128xf32>
    %dot_general3A_239 = tpu.matmul %concatenate3A_237, %get3A_6, %dot_general3A_238 {dimension_numbers = #tpu.dot_dimension_numbers<[0], [0], [1], [1], [0, 1, 1, 1], [], []>, transpose_lhs_hint = false} : vector<128x1000xf32>, vector<128x128xf32>, vector<1000x128xf32> -> vector<1000x128xf32>
    %swap3A_240 = arith.constant 23000 : index
    %swap3A_241 = arith.constant 0 : index
    %swap3A_242 = vector.load %arg3[%swap3A_240, %swap3A_241] : memref<25000x128xf32, #tpu.memory_space<vmem>>, vector<1000x128xf32>
    tpu.vector_store %arg3[%swap3A_240, %swap3A_241], %dot_general3A_239 {strides = array<i32>} : memref<25000x128xf32, #tpu.memory_space<vmem>>, vector<1000x128xf32>,
    %slice3A_243 = vector.extract_strided_slice %get3A_3 {offsets = [0, 24000], sizes = [32, 1000], strides = [1, 1]} : vector<32x100000xf32> to vector<32x1000xf32>
    %slice3A_244 = vector.extract_strided_slice %get3A_3 {offsets = [0, 49000], sizes = [32, 1000], strides = [1, 1]} : vector<32x100000xf32> to vector<32x1000xf32>
    %slice3A_245 = vector.extract_strided_slice %get3A_3 {offsets = [0, 74000], sizes = [32, 1000], strides = [1, 1]} : vector<32x100000xf32> to vector<32x1000xf32>
    %slice3A_246 = vector.extract_strided_slice %get3A_3 {offsets = [0, 99000], sizes = [32, 1000], strides = [1, 1]} : vector<32x100000xf32> to vector<32x1000xf32>
    %concatenate3A_247 = tpu.concatenate %slice3A_243, %slice3A_244, %slice3A_245, %slice3A_246 in 0 : vector<32x1000xf32>, vector<32x1000xf32>, vector<32x1000xf32>, vector<32x1000xf32> -> vector<128x1000xf32>
    %dot_general3A_248 = arith.constant dense<0.000000e+00> : vector<1000x128xf32>
    %dot_general3A_249 = tpu.matmul %concatenate3A_247, %get3A_6, %dot_general3A_248 {dimension_numbers = #tpu.dot_dimension_numbers<[0], [0], [1], [1], [0, 1, 1, 1], [], []>, transpose_lhs_hint = false} : vector<128x1000xf32>, vector<128x128xf32>, vector<1000x128xf32> -> vector<1000x128xf32>
    %swap3A_250 = arith.constant 24000 : index
    %swap3A_251 = arith.constant 0 : index
    %swap3A_252 = vector.load %arg3[%swap3A_250, %swap3A_251] : memref<25000x128xf32, #tpu.memory_space<vmem>>, vector<1000x128xf32>
    tpu.vector_store %arg3[%swap3A_250, %swap3A_251], %dot_general3A_249 {strides = array<i32>} : memref<25000x128xf32, #tpu.memory_space<vmem>>, vector<1000x128xf32>,
    return
  }
  func.func @transform_0(%arg0: i32) -> (i32, i32, i32) {
    %c0_i32 = arith.constant 0 : i32
    %c0_i32_0 = arith.constant 0 : i32
    %c0_i32_1 = arith.constant 0 : i32
    return %arg0, %c0_i32, %c0_i32_0 : i32, i32, i32
  }
  func.func @transform_1(%arg0: i32) -> (i32, i32) {
    %c0_i32 = arith.constant 0 : i32
    %c0_i32_0 = arith.constant 0 : i32
    %c0_i32_1 = arith.constant 0 : i32
    return %c0_i32, %c0_i32_0 : i32, i32
  }
  func.func @transform_2(%arg0: i32) -> (i32, i32) {
    %c0_i32 = arith.constant 0 : i32
    %c0_i32_0 = arith.constant 0 : i32
    return %arg0, %c0_i32 : i32, i32
  }
}

module attributes {stable_mosaic.version = 14 : i64} {
  func.func @_mlp_body(%arg0: i32, %arg1: memref<2048x832xf32, #tpu.memory_space<vmem>>, %arg2: memref<832x128xf32, #tpu.memory_space<vmem>>, %arg3: memref<1x128xf32, #tpu.memory_space<vmem>>, %arg4: memref<1x128xf32, #tpu.memory_space<vmem>>, %arg5: memref<1x128xf32, #tpu.memory_space<vmem>>, %arg6: memref<128x64xf32, #tpu.memory_space<vmem>>, %arg7: memref<1x64xf32, #tpu.memory_space<vmem>>, %arg8: memref<1x64xf32, #tpu.memory_space<vmem>>, %arg9: memref<1x64xf32, #tpu.memory_space<vmem>>, %arg10: memref<64x1xf32, #tpu.memory_space<vmem>>, %arg11: memref<1x1xf32, #tpu.memory_space<vmem>>, %arg12: memref<16384x1xf32, #tpu.memory_space<vmem>>, %arg13: memref<16384x128xf32, #tpu.memory_space<vmem>>, %arg14: memref<1x128xf32, #tpu.memory_space<vmem>>, %arg15: memref<1x128xf32, #tpu.memory_space<vmem>>) attributes {dimension_semantics = [#tpu.dimension_semantics<arbitrary>], iteration_bounds = array<i64: 8>, scalar_prefetch = 0 : i64, scratch_operands = 3 : i64, tpu.core_type = #tpu.core_type<tc>, window_params = [{transform_indices = @transform_0, window_bounds = array<i64: 2048, 832>}, {pipeline_mode = #tpu.pipeline_mode<synchronous>, transform_indices = @transform_1, window_bounds = array<i64: 832, 128>}, {pipeline_mode = #tpu.pipeline_mode<synchronous>, transform_indices = @transform_2, window_bounds = array<i64: 1, 128>}, {pipeline_mode = #tpu.pipeline_mode<synchronous>, transform_indices = @transform_3, window_bounds = array<i64: 1, 128>}, {pipeline_mode = #tpu.pipeline_mode<synchronous>, transform_indices = @transform_4, window_bounds = array<i64: 1, 128>}, {pipeline_mode = #tpu.pipeline_mode<synchronous>, transform_indices = @transform_5, window_bounds = array<i64: 128, 64>}, {pipeline_mode = #tpu.pipeline_mode<synchronous>, transform_indices = @transform_6, window_bounds = array<i64: 1, 64>}, {pipeline_mode = #tpu.pipeline_mode<synchronous>, transform_indices = @transform_7, window_bounds = array<i64: 1, 64>}, {pipeline_mode = #tpu.pipeline_mode<synchronous>, transform_indices = @transform_8, window_bounds = array<i64: 1, 64>}, {pipeline_mode = #tpu.pipeline_mode<synchronous>, transform_indices = @transform_9, window_bounds = array<i64: 64, 1>}, {pipeline_mode = #tpu.pipeline_mode<synchronous>, transform_indices = @transform_10, window_bounds = array<i64: 1, 1>}, {pipeline_mode = #tpu.pipeline_mode<synchronous>, transform_indices = @transform_11, window_bounds = array<i64: 16384, 1>}]} {
    %get3A = arith.constant 0 : index
    %get3A_0 = arith.constant 0 : index
    %get3A_1 = vector.load %arg1[%get3A, %get3A_0] : memref<2048x832xf32, #tpu.memory_space<vmem>>, vector<2048x832xf32>
    %get3A_2 = arith.constant 0 : index
    %get3A_3 = arith.constant 0 : index
    %get3A_4 = vector.load %arg2[%get3A_2, %get3A_3] : memref<832x128xf32, #tpu.memory_space<vmem>>, vector<832x128xf32>
    %dot_general3A = arith.constant dense<0.000000e+00> : vector<2048x128xf32>
    %dot_general3A_5 = tpu.matmul %get3A_1, %get3A_4, %dot_general3A {dimension_numbers = #tpu.dot_dimension_numbers<[1], [0], [0], [1], [0, 0, 1, 1], [], []>, transpose_lhs_hint = false} : vector<2048x832xf32>, vector<832x128xf32>, vector<2048x128xf32> -> vector<2048x128xf32>
    %get3A_6 = arith.constant 0 : index
    %get3A_7 = arith.constant 0 : index
    %get3A_8 = vector.load %arg3[%get3A_6, %get3A_7] : memref<1x128xf32, #tpu.memory_space<vmem>>, vector<1x128xf32>
    %add3A = vector.broadcast %get3A_8 : vector<1x128xf32> to vector<2048x128xf32>
    %add3A_9 = arith.addf %dot_general3A_5, %add3A : vector<2048x128xf32>
    %max3A = arith.constant 0.000000e+00 : f32
    %max3A_10 = vector.broadcast %max3A : f32 to vector<2048x128xf32>
    %max3A_11 = arith.maximumf %add3A_9, %max3A_10 : vector<2048x128xf32>
    %mul3A = arith.constant 2048 : i32
    %mul3A_12 = arith.muli %arg0, %mul3A : i32
    %swap3A = arith.index_cast %mul3A_12 : i32 to index
    %swap3A_13 = arith.constant 0 : index
    %swap3A_14 = vector.load %arg13[%swap3A, %swap3A_13] : memref<16384x128xf32, #tpu.memory_space<vmem>>, vector<2048x128xf32>
    tpu.vector_store %arg13[%swap3A, %swap3A_13], %max3A_11 {strides = array<i32>} : memref<16384x128xf32, #tpu.memory_space<vmem>>, vector<2048x128xf32>,
    %eq3A = arith.constant 0 : i32
    %eq3A_15 = arith.cmpi eq, %arg0, %eq3A : i32
    %convert_element_type3A = arith.extui %eq3A_15 : i1 to i32
    %cond3A = arith.constant 0 : i32
    %cond3A_16 = arith.cmpi ne, %convert_element_type3A, %cond3A : i32
    scf.if %cond3A_16 {
      %broadcast_in_dim3A_41 = arith.constant 0.000000e+00 : f32
      %broadcast_in_dim3A_42 = vector.broadcast %broadcast_in_dim3A_41 : f32 to vector<1x128xf32>
      %swap3A_43 = arith.constant 0 : index
      %swap3A_44 = arith.constant 0 : index
      %swap3A_45 = vector.load %arg14[%swap3A_43, %swap3A_44] : memref<1x128xf32, #tpu.memory_space<vmem>>, vector<1x128xf32>
      tpu.vector_store %arg14[%swap3A_43, %swap3A_44], %broadcast_in_dim3A_42 {strides = array<i32>} : memref<1x128xf32, #tpu.memory_space<vmem>>, vector<1x128xf32>,
      %broadcast_in_dim3A_46 = arith.constant 0.000000e+00 : f32
      %broadcast_in_dim3A_47 = vector.broadcast %broadcast_in_dim3A_46 : f32 to vector<1x128xf32>
      %swap3A_48 = arith.constant 0 : index
      %swap3A_49 = arith.constant 0 : index
      %swap3A_50 = vector.load %arg15[%swap3A_48, %swap3A_49] : memref<1x128xf32, #tpu.memory_space<vmem>>, vector<1x128xf32>
      tpu.vector_store %arg15[%swap3A_48, %swap3A_49], %broadcast_in_dim3A_47 {strides = array<i32>} : memref<1x128xf32, #tpu.memory_space<vmem>>, vector<1x128xf32>,
    } else {
    }
    %get3A_17 = arith.constant 0 : index
    %get3A_18 = arith.constant 0 : index
    %get3A_19 = vector.load %arg14[%get3A_17, %get3A_18] : memref<1x128xf32, #tpu.memory_space<vmem>>, vector<1x128xf32>
    %reduce_sum3A = arith.constant dense<0.000000e+00> : vector<128xf32>
    %reduce_sum3A_20 = vector.multi_reduction <add>, %max3A_11, %reduce_sum3A [0] : vector<2048x128xf32> to vector<128xf32>
    %broadcast_in_dim3A = vector.shape_cast %reduce_sum3A_20 : vector<128xf32> to vector<1x128xf32>
    %add3A_21 = arith.addf %get3A_19, %broadcast_in_dim3A : vector<1x128xf32>
    %swap3A_22 = arith.constant 0 : index
    %swap3A_23 = arith.constant 0 : index
    %swap3A_24 = vector.load %arg14[%swap3A_22, %swap3A_23] : memref<1x128xf32, #tpu.memory_space<vmem>>, vector<1x128xf32>
    tpu.vector_store %arg14[%swap3A_22, %swap3A_23], %add3A_21 {strides = array<i32>} : memref<1x128xf32, #tpu.memory_space<vmem>>, vector<1x128xf32>,
    %get3A_25 = arith.constant 0 : index
    %get3A_26 = arith.constant 0 : index
    %get3A_27 = vector.load %arg15[%get3A_25, %get3A_26] : memref<1x128xf32, #tpu.memory_space<vmem>>, vector<1x128xf32>
    %mul3A_28 = arith.mulf %max3A_11, %max3A_11 : vector<2048x128xf32>
    %reduce_sum3A_29 = arith.constant dense<0.000000e+00> : vector<128xf32>
    %reduce_sum3A_30 = vector.multi_reduction <add>, %mul3A_28, %reduce_sum3A_29 [0] : vector<2048x128xf32> to vector<128xf32>
    %broadcast_in_dim3A_31 = vector.shape_cast %reduce_sum3A_30 : vector<128xf32> to vector<1x128xf32>
    %add3A_32 = arith.addf %get3A_27, %broadcast_in_dim3A_31 : vector<1x128xf32>
    %swap3A_33 = arith.constant 0 : index
    %swap3A_34 = arith.constant 0 : index
    %swap3A_35 = vector.load %arg15[%swap3A_33, %swap3A_34] : memref<1x128xf32, #tpu.memory_space<vmem>>, vector<1x128xf32>
    tpu.vector_store %arg15[%swap3A_33, %swap3A_34], %add3A_32 {strides = array<i32>} : memref<1x128xf32, #tpu.memory_space<vmem>>, vector<1x128xf32>,
    %eq3A_36 = arith.constant 7 : i32
    %eq3A_37 = arith.cmpi eq, %arg0, %eq3A_36 : i32
    %convert_element_type3A_38 = arith.extui %eq3A_37 : i1 to i32
    %cond3A_39 = arith.constant 0 : i32
    %cond3A_40 = arith.cmpi ne, %convert_element_type3A_38, %cond3A_39 : i32
    scf.if %cond3A_40 {
      %get3A_41 = arith.constant 0 : index
      %get3A_42 = arith.constant 0 : index
      %get3A_43 = vector.load %arg14[%get3A_41, %get3A_42] : memref<1x128xf32, #tpu.memory_space<vmem>>, vector<1x128xf32>
      %mul3A_44 = arith.constant 6.10351563E-5 : f32
      %mul3A_45 = vector.broadcast %mul3A_44 : f32 to vector<1x128xf32>
      %mul3A_46 = arith.mulf %get3A_43, %mul3A_45 : vector<1x128xf32>
      %get3A_47 = arith.constant 0 : index
      %get3A_48 = arith.constant 0 : index
      %get3A_49 = vector.load %arg15[%get3A_47, %get3A_48] : memref<1x128xf32, #tpu.memory_space<vmem>>, vector<1x128xf32>
      %mul3A_50 = arith.constant 6.10351563E-5 : f32
      %mul3A_51 = vector.broadcast %mul3A_50 : f32 to vector<1x128xf32>
      %mul3A_52 = arith.mulf %get3A_49, %mul3A_51 : vector<1x128xf32>
      %mul3A_53 = arith.mulf %mul3A_46, %mul3A_46 : vector<1x128xf32>
      %sub3A = arith.subf %mul3A_52, %mul3A_53 : vector<1x128xf32>
      %get3A_54 = arith.constant 0 : index
      %get3A_55 = arith.constant 0 : index
      %get3A_56 = vector.load %arg13[%get3A_54, %get3A_55] : memref<16384x128xf32, #tpu.memory_space<vmem>>, vector<16384x128xf32>
      %sub3A_57 = vector.broadcast %mul3A_46 : vector<1x128xf32> to vector<16384x128xf32>
      %sub3A_58 = arith.subf %get3A_56, %sub3A_57 : vector<16384x128xf32>
      %add3A_59 = arith.constant 9.99999974E-6 : f32
      %add3A_60 = vector.broadcast %add3A_59 : f32 to vector<1x128xf32>
      %add3A_61 = arith.addf %sub3A, %add3A_60 : vector<1x128xf32>
      %rsqrt3A = math.rsqrt %add3A_61 : vector<1x128xf32>
      %mul3A_62 = vector.broadcast %rsqrt3A : vector<1x128xf32> to vector<16384x128xf32>
      %mul3A_63 = arith.mulf %sub3A_58, %mul3A_62 : vector<16384x128xf32>
      %get3A_64 = arith.constant 0 : index
      %get3A_65 = arith.constant 0 : index
      %get3A_66 = vector.load %arg4[%get3A_64, %get3A_65] : memref<1x128xf32, #tpu.memory_space<vmem>>, vector<1x128xf32>
      %mul3A_67 = vector.broadcast %get3A_66 : vector<1x128xf32> to vector<16384x128xf32>
      %mul3A_68 = arith.mulf %mul3A_63, %mul3A_67 : vector<16384x128xf32>
      %get3A_69 = arith.constant 0 : index
      %get3A_70 = arith.constant 0 : index
      %get3A_71 = vector.load %arg5[%get3A_69, %get3A_70] : memref<1x128xf32, #tpu.memory_space<vmem>>, vector<1x128xf32>
      %add3A_72 = vector.broadcast %get3A_71 : vector<1x128xf32> to vector<16384x128xf32>
      %add3A_73 = arith.addf %mul3A_68, %add3A_72 : vector<16384x128xf32>
      %get3A_74 = arith.constant 0 : index
      %get3A_75 = arith.constant 0 : index
      %get3A_76 = vector.load %arg6[%get3A_74, %get3A_75] : memref<128x64xf32, #tpu.memory_space<vmem>>, vector<128x64xf32>
      %dot_general3A_77 = arith.constant dense<0.000000e+00> : vector<16384x64xf32>
      %dot_general3A_78 = tpu.matmul %add3A_73, %get3A_76, %dot_general3A_77 {dimension_numbers = #tpu.dot_dimension_numbers<[1], [0], [0], [1], [0, 0, 1, 1], [], []>, transpose_lhs_hint = false} : vector<16384x128xf32>, vector<128x64xf32>, vector<16384x64xf32> -> vector<16384x64xf32>
      %get3A_79 = arith.constant 0 : index
      %get3A_80 = arith.constant 0 : index
      %get3A_81 = vector.load %arg7[%get3A_79, %get3A_80] : memref<1x64xf32, #tpu.memory_space<vmem>>, vector<1x64xf32>
      %add3A_82 = vector.broadcast %get3A_81 : vector<1x64xf32> to vector<16384x64xf32>
      %add3A_83 = arith.addf %dot_general3A_78, %add3A_82 : vector<16384x64xf32>
      %max3A_84 = arith.constant 0.000000e+00 : f32
      %max3A_85 = vector.broadcast %max3A_84 : f32 to vector<16384x64xf32>
      %max3A_86 = arith.maximumf %add3A_83, %max3A_85 : vector<16384x64xf32>
      %reduce_sum3A_87 = arith.constant dense<0.000000e+00> : vector<64xf32>
      %reduce_sum3A_88 = vector.multi_reduction <add>, %max3A_86, %reduce_sum3A_87 [0] : vector<16384x64xf32> to vector<64xf32>
      %broadcast_in_dim3A_89 = vector.shape_cast %reduce_sum3A_88 : vector<64xf32> to vector<1x64xf32>
      %div3A = arith.constant 1.638400e+04 : f32
      %div3A_90 = vector.broadcast %div3A : f32 to vector<1x64xf32>
      %div3A_91 = arith.divf %broadcast_in_dim3A_89, %div3A_90 : vector<1x64xf32>
      %mul3A_92 = arith.mulf %max3A_86, %max3A_86 : vector<16384x64xf32>
      %reduce_sum3A_93 = arith.constant dense<0.000000e+00> : vector<64xf32>
      %reduce_sum3A_94 = vector.multi_reduction <add>, %mul3A_92, %reduce_sum3A_93 [0] : vector<16384x64xf32> to vector<64xf32>
      %broadcast_in_dim3A_95 = vector.shape_cast %reduce_sum3A_94 : vector<64xf32> to vector<1x64xf32>
      %div3A_96 = arith.constant 1.638400e+04 : f32
      %div3A_97 = vector.broadcast %div3A_96 : f32 to vector<1x64xf32>
      %div3A_98 = arith.divf %broadcast_in_dim3A_95, %div3A_97 : vector<1x64xf32>
      %mul3A_99 = arith.mulf %div3A_91, %div3A_91 : vector<1x64xf32>
      %sub3A_100 = arith.subf %div3A_98, %mul3A_99 : vector<1x64xf32>
      %sub3A_101 = vector.broadcast %div3A_91 : vector<1x64xf32> to vector<16384x64xf32>
      %sub3A_102 = arith.subf %max3A_86, %sub3A_101 : vector<16384x64xf32>
      %add3A_103 = arith.constant 9.99999974E-6 : f32
      %add3A_104 = vector.broadcast %add3A_103 : f32 to vector<1x64xf32>
      %add3A_105 = arith.addf %sub3A_100, %add3A_104 : vector<1x64xf32>
      %rsqrt3A_106 = math.rsqrt %add3A_105 : vector<1x64xf32>
      %mul3A_107 = vector.broadcast %rsqrt3A_106 : vector<1x64xf32> to vector<16384x64xf32>
      %mul3A_108 = arith.mulf %sub3A_102, %mul3A_107 : vector<16384x64xf32>
      %get3A_109 = arith.constant 0 : index
      %get3A_110 = arith.constant 0 : index
      %get3A_111 = vector.load %arg8[%get3A_109, %get3A_110] : memref<1x64xf32, #tpu.memory_space<vmem>>, vector<1x64xf32>
      %mul3A_112 = vector.broadcast %get3A_111 : vector<1x64xf32> to vector<16384x64xf32>
      %mul3A_113 = arith.mulf %mul3A_108, %mul3A_112 : vector<16384x64xf32>
      %get3A_114 = arith.constant 0 : index
      %get3A_115 = arith.constant 0 : index
      %get3A_116 = vector.load %arg9[%get3A_114, %get3A_115] : memref<1x64xf32, #tpu.memory_space<vmem>>, vector<1x64xf32>
      %add3A_117 = vector.broadcast %get3A_116 : vector<1x64xf32> to vector<16384x64xf32>
      %add3A_118 = arith.addf %mul3A_113, %add3A_117 : vector<16384x64xf32>
      %get3A_119 = arith.constant 0 : index
      %get3A_120 = arith.constant 0 : index
      %get3A_121 = vector.load %arg10[%get3A_119, %get3A_120] : memref<64x1xf32, #tpu.memory_space<vmem>>, vector<64x1xf32>
      %dot_general3A_122 = arith.constant dense<0.000000e+00> : vector<16384x1xf32>
      %dot_general3A_123 = tpu.matmul %add3A_118, %get3A_121, %dot_general3A_122 {dimension_numbers = #tpu.dot_dimension_numbers<[1], [0], [0], [1], [0, 0, 1, 1], [], []>, transpose_lhs_hint = false} : vector<16384x64xf32>, vector<64x1xf32>, vector<16384x1xf32> -> vector<16384x1xf32>
      %get3A_124 = arith.constant 0 : index
      %get3A_125 = arith.constant 0 : index
      %get3A_126 = vector.load %arg11[%get3A_124, %get3A_125] : memref<1x1xf32, #tpu.memory_space<vmem>>, vector<1x1xf32>
      %add3A_127 = vector.broadcast %get3A_126 : vector<1x1xf32> to vector<16384x1xf32>
      %add3A_128 = arith.addf %dot_general3A_123, %add3A_127 : vector<16384x1xf32>
      %swap3A_129 = arith.constant 0 : index
      %swap3A_130 = arith.constant 0 : index
      %swap3A_131 = vector.load %arg12[%swap3A_129, %swap3A_130] : memref<16384x1xf32, #tpu.memory_space<vmem>>, vector<16384x1xf32>
      tpu.vector_store %arg12[%swap3A_129, %swap3A_130], %add3A_128 {strides = array<i32>} : memref<16384x1xf32, #tpu.memory_space<vmem>>, vector<16384x1xf32>,
    } else {
    }
    return
  }
  func.func @transform_0(%arg0: i32) -> (i32, i32) {
    %c0_i32 = arith.constant 0 : i32
    %c0_i32_0 = arith.constant 0 : i32
    return %arg0, %c0_i32 : i32, i32
  }
  func.func @transform_1(%arg0: i32) -> (i32, i32) {
    %c0_i32 = arith.constant 0 : i32
    %c0_i32_0 = arith.constant 0 : i32
    %c0_i32_1 = arith.constant 0 : i32
    return %c0_i32, %c0_i32_0 : i32, i32
  }
  func.func @transform_2(%arg0: i32) -> (i32, i32) {
    %c0_i32 = arith.constant 0 : i32
    %c0_i32_0 = arith.constant 0 : i32
    %c0_i32_1 = arith.constant 0 : i32
    return %c0_i32, %c0_i32_0 : i32, i32
  }
  func.func @transform_3(%arg0: i32) -> (i32, i32) {
    %c0_i32 = arith.constant 0 : i32
    %c0_i32_0 = arith.constant 0 : i32
    %c0_i32_1 = arith.constant 0 : i32
    return %c0_i32, %c0_i32_0 : i32, i32
  }
  func.func @transform_4(%arg0: i32) -> (i32, i32) {
    %c0_i32 = arith.constant 0 : i32
    %c0_i32_0 = arith.constant 0 : i32
    %c0_i32_1 = arith.constant 0 : i32
    return %c0_i32, %c0_i32_0 : i32, i32
  }
  func.func @transform_5(%arg0: i32) -> (i32, i32) {
    %c0_i32 = arith.constant 0 : i32
    %c0_i32_0 = arith.constant 0 : i32
    %c0_i32_1 = arith.constant 0 : i32
    return %c0_i32, %c0_i32_0 : i32, i32
  }
  func.func @transform_6(%arg0: i32) -> (i32, i32) {
    %c0_i32 = arith.constant 0 : i32
    %c0_i32_0 = arith.constant 0 : i32
    %c0_i32_1 = arith.constant 0 : i32
    return %c0_i32, %c0_i32_0 : i32, i32
  }
  func.func @transform_7(%arg0: i32) -> (i32, i32) {
    %c0_i32 = arith.constant 0 : i32
    %c0_i32_0 = arith.constant 0 : i32
    %c0_i32_1 = arith.constant 0 : i32
    return %c0_i32, %c0_i32_0 : i32, i32
  }
  func.func @transform_8(%arg0: i32) -> (i32, i32) {
    %c0_i32 = arith.constant 0 : i32
    %c0_i32_0 = arith.constant 0 : i32
    %c0_i32_1 = arith.constant 0 : i32
    return %c0_i32, %c0_i32_0 : i32, i32
  }
  func.func @transform_9(%arg0: i32) -> (i32, i32) {
    %c0_i32 = arith.constant 0 : i32
    %c0_i32_0 = arith.constant 0 : i32
    %c0_i32_1 = arith.constant 0 : i32
    return %c0_i32, %c0_i32_0 : i32, i32
  }
  func.func @transform_10(%arg0: i32) -> (i32, i32) {
    %c0_i32 = arith.constant 0 : i32
    %c0_i32_0 = arith.constant 0 : i32
    %c0_i32_1 = arith.constant 0 : i32
    return %c0_i32, %c0_i32_0 : i32, i32
  }
  func.func @transform_11(%arg0: i32) -> (i32, i32) {
    %c0_i32 = arith.constant 0 : i32
    %c0_i32_0 = arith.constant 0 : i32
    %c0_i32_1 = arith.constant 0 : i32
    return %c0_i32, %c0_i32_0 : i32, i32
  }
}

</mosaic_0001>

<sc_bundles>
// kernel: kernel.5.cloned.1.call-start
scs
__scs_entry_jumppad:
0x0: {  	(pc) =	sbr.rel $0x88, $3  }
0x1: {  	(tag) =	ssettag $0x0;
	lr =	simm.s32 $0x1  }
0x2: {  	[smem:$0x3F95] =	sst lr;
	_ =	strace $0xD0000000  }
0x3: {  	_ = 	snop  }
0x4: {  	_ = 	snop  }
0x5: {  	_ = 	snop  }
0x6: {  	_ = 	snop  }
0x7: {  	_ = 	snop  }
__scs_overlays_trampoline_lowered:
0x8: {  	[smem:$0x3FA4] =	sst s0  }
0x9: {  	[smem:$0x3FA5] =	sst s1  }
0xa: {  	[smem:$0x3FA6] =	sst s2  }
0xb: {  	[smem:$0x3FA7] =	sst s3  }
0xc: {  	[smem:$0x3FA8] =	sst s4  }
0xd: {  	[smem:$0x3FA9] =	sst s5  }
0xe: {  	[smem:$0x3FAA] =	sst s6  }
0xf: {  	[smem:$0x3FAB] =	sst s7  }
0x10: {  	[smem:$0x3FAC] =	sst s8  }
0x11: {  	[smem:$0x3FAD] =	sst s9;
	s0 =	simm.s32 @!p0 $0x0  }
0x12: {  	s1 =	sld [smem:$0x3F93];
	s0 =	simm.s32 @p0 $0x1  }
0x13: {  	[smem:$0x3FAE] =	sst s0;
	s0 =	simm.s32 @!p1 $0x0  }
0x14: {  	s2 =	sld [smem:$0x3F92];
	s0 =	simm.s32 @p1 $0x1  }
0x15: {  	[smem:$0x3FAF] =	sst s0;
	s0 =	simm.s32 @!p2 $0x0  }
0x16: {  	s3 =	sld [smem:$0x3FDB];
	s0 =	simm.s32 @p2 $0x1  }
0x17: {  	s4 =	simm.s32 $0x1BF5;
	[smem:$0x3FB1] =	sst s0  }
0x18: {  	s0 =	sld [smem:$0x3F94];
	_ =	swait.ge [sflag:s4], $0x0  }
0x19: {  	s7 =	sld [smem:$0x3F95]  }
0x1a: {  	s8 =	sadd.s32 $0xFFFFE003, lr  }
0x1b: {  	s9 =	sadd.s32 $0xFFFFFEF7, lr;
	s5 =	simm.s32 $0xFFFFFFFF;
	p2 =	slt.u32 s8, $0xFFFFF086  }
0x1c: {  	p1 =	slt.u32 s9, $0xF7A;
	s5 =	simm.s32 @!p2 $0x0  }
0x1d: {  	s5 =	simm.s32 @p1 $0x1;
	p0 =	seq.s32 s7, s2  }
0x1e: {  	s7 =	smul.u32 @!p0 $0xF7A, s2;
	p2 =	seq.s32 @!p0 s5, $0x0  }
0x1f: {  	s9 =	smul.u32 $0xF7A, s1;
	s8 =	simm.s32 @!p0 $0x1BF5;
	p2 =	por !p2, p0  }
0x20: {  	[sflag:s8] =	ssyncset.s32 @!p0 $0xFFFFF086;
	s6 =	sadd.s32 @!p0 s3, s7;
	s7 =	simm.s32 @!p0 $0x108  }
0x21: {  	s3 =	sadd.s32 s3, s9;
	s6 =	sadd.s32 @!p0 $0x88, s6;
	s7 =	simm.s32 @p2 $0x1082  }
0x22: {  	[simem:s7], [sflag:s8] =	dma.local @!p0 [hbm:s6], $0xF7A  }
0x23: {  	s9 =	sor.u32 $0xD0000000, s2;
	s6 =	simm.s32 $0x108;
	_ =	swait.ge @!p0 [sflag:s8], $0x0  }
0x24: {  	s3 =	sadd.s32 $0x88, s3;
	s6 =	simm.s32 @!p1 $0x1082;
	[sflag:s4] =	ssyncset.s32 $0xFFFFF086  }
0x25: {  	[simem:s6], [sflag:s4] =	dma.local [hbm:s3], $0xF7A  }
0x26: {  	[smem:$0x3F95] =	sst s1;
	(tag) =	ssettag s2;
	_ =	strace s9  }
0x27: {  	s1 =	sld [smem:$0x3FA5]  }
0x28: {  	s2 =	sld [smem:$0x3FA6]  }
0x29: {  	s4 =	sld [smem:$0x3FA8]  }
0x2a: {  	p0 =	seq.s32 s5, $0x0;
	s5 =	sld [smem:$0x3FA9]  }
0x2b: {  	s6 =	sld [smem:$0x3FAA]  }
0x2c: {  	s7 =	sld [smem:$0x3FAB]  }
0x2d: {  	s3 =	simm.s32 $0x108;
	s8 =	sld [smem:$0x3FAC]  }
0x2e: {  	s3 =	simm.s32 @!p0 $0x1082;
	s9 =	sld [smem:$0x3FAD]  }
0x2f: {  	lr =	sadd.s32 s0, s3;
	s0 =	sld [smem:$0x3FA4]  }
0x30: {  	s3 =	sld [smem:$0x3FA7]  }
0x31: {  	[smem:$0x3FB0] =	sst s10  }
0x32: {  	s10 =	sld [smem:$0x3FAE];
	_ =	sdelay $0x3  }
0x33: {  	p0 =	seq.s32 s10, $0x1;
	s10 =	sld [smem:$0x3FB0];
	_ =	sdelay $0x3  }
0x34: {  	[smem:$0x3FB0] =	sst s10  }
0x35: {  	s10 =	sld [smem:$0x3FAF];
	_ =	sdelay $0x3  }
0x36: {  	p1 =	seq.s32 s10, $0x1;
	s10 =	sld [smem:$0x3FB0];
	_ =	sdelay $0x3  }
0x37: {  	[smem:$0x3FB0] =	sst s10  }
0x38: {  	s10 =	sld [smem:$0x3FB1]  }
0x39: {  	_ = 	snop;
	(pc) =	sbr.ind lr, $3  }
0x3a: {  	_ = 	snop  }
0x3b: {  	_ = 	snop  }
0x3c: {  	p2 =	seq.s32 s10, $0x1;
	s10 =	sld [smem:$0x3FB0]  }
0x3d: {  	_ =	shalt  }
0x3e: {  	_ =	shalt  }
0x3f: {  	_ =	shalt  }
0x40: {  	_ =	shalt  }
0x41: {  	_ =	shalt  }
0x42: {  	_ =	shalt  }
0x43: {  	_ =	shalt  }
0x44: {  	_ =	shalt  }
0x45: {  	_ =	shalt  }
0x46: {  	_ =	shalt  }
0x47: {  	_ =	shalt  }
0x48: {  	_ =	shalt  }
0x49: {  	_ =	shalt  }
0x4a: {  	_ =	shalt  }
0x4b: {  	_ =	shalt  }
0x4c: {  	_ =	shalt  }
0x4d: {  	_ =	shalt  }
0x4e: {  	_ =	shalt  }
0x4f: {  	_ =	shalt  }
0x50: {  	_ =	shalt  }
0x51: {  	_ =	shalt  }
0x52: {  	_ =	shalt  }
0x53: {  	_ =	shalt  }
0x54: {  	_ =	shalt  }
0x55: {  	_ =	shalt  }
0x56: {  	_ =	shalt  }
0x57: {  	_ =	shalt  }
0x58: {  	_ =	shalt  }
0x59: {  	_ =	shalt  }
0x5a: {  	_ =	shalt  }
0x5b: {  	_ =	shalt  }
0x5c: {  	_ =	shalt  }
0x5d: {  	_ =	shalt  }
0x5e: {  	_ =	shalt  }
0x5f: {  	_ =	shalt  }
0x60: {  	_ =	shalt  }
0x61: {  	_ =	shalt  }
0x62: {  	_ =	shalt  }
0x63: {  	_ =	shalt  }
0x64: {  	_ =	shalt  }
0x65: {  	_ =	shalt  }
0x66: {  	_ =	shalt  }
0x67: {  	_ =	shalt  }
0x68: {  	_ =	shalt  }
0x69: {  	_ =	shalt  }
0x6a: {  	_ =	shalt  }
0x6b: {  	_ =	shalt  }
0x6c: {  	_ =	shalt  }
0x6d: {  	_ =	shalt  }
0x6e: {  	_ =	shalt  }
0x6f: {  	_ =	shalt  }
0x70: {  	_ =	shalt  }
0x71: {  	_ =	shalt  }
0x72: {  	_ =	shalt  }
0x73: {  	_ =	shalt  }
0x74: {  	_ =	shalt  }
0x75: {  	_ =	shalt  }
0x76: {  	_ =	shalt  }
0x77: {  	_ =	shalt  }
0x78: {  	_ =	shalt  }
0x79: {  	_ =	shalt  }
0x7a: {  	_ =	shalt  }
0x7b: {  	_ =	shalt  }
0x7c: {  	_ =	shalt  }
0x7d: {  	_ =	shalt  }
0x7e: {  	_ =	shalt  }
0x7f: {  	_ =	shalt  }
0x80: {  	_ =	shalt  }
0x81: {  	_ =	shalt  }
0x82: {  	_ =	shalt  }
0x83: {  	_ =	shalt  }
0x84: {  	_ =	shalt  }
0x85: {  	_ =	shalt  }
0x86: {  	_ =	shalt  }
0x87: {  	_ =	shalt  }
.Lfunc_end0:
.L_simem_size_0:
called_computation_lowered:
.L_overlay_start_0:
0x88: {  	s2 =	sld [smem:$0x3FD9]  }
0x89: {  	s3 =	sld [smem:$0x3FFE];
	_ =	sdelay $0x1  }
0x8a: {  	s1 =	srdreg.scid  }
0x8b: {  	s0 =	sand.u32 $0x1, s1  }
0x8c: {  	s16 =	sshll.u32 s0, $0xA;
	s2 =	sadd.s32 s3, s2  }
0x8d: {  	s2 =	sadd.s32 s2, s16  }
0x8e: {  	[smem:$0x3FBC] =	sst s2  }
0x8f: {  	_ = 	snop  }
0x90: {  	(tm) =	ssettm $0x1  }
0x91: {  	s17 =	sld [smem:$0x3FFB];
	_ =	sdelay $0x3  }
0x92: {  	_ =	strace s17  }
0x93: {  	s2 =	sld [smem:$0x3FFC];
	_ =	sdelay $0x3  }
0x94: {  	_ =	strace s2  }
0x95: {  	s2 =	sld [smem:$0x3FFD];
	_ =	sdelay $0x3  }
0x96: {  	_ =	strace s2  }
0x97: {  	_ =	strace $0x8FFFFFFF  }
0x98: {  	s18 =	sld [smem:$0x3FDB];
	_ =	sdelay $0x1  }
0x99: {  	s19 =	simm.s32 $_scs_section_size  }
0x9a: {  	s4 =	simm.s32 $_size__tile_overlayer_lowered;
	s5 =	simm.s32 $_tile_overlayer_lowered  }
0x9b: {  	s22 =	simm.s32 $0x1BFF;
	s21 =	sshll.u32 s5, $0x1;
	s2 =	sadd.s32 s19, s18  }
0x9c: {  	s6 =	simm.s32 $0x0;
	s20 =	sshll.u32 s4, $0x1;
	s4 =	sadd.s32 s21, s2  }
0x9d: {  	[timem:s6], [sflag:s22] =	dma.local [hbm:s4], s20  }
0x9e: {  	_ =	swait.ge [sflag:s22], s20  }
0x9f: {  	s3 =	ssub.s32 $0x0, s20;
	[sflag:s22] =	ssyncset.done $0x0  }
0xa0: {  	[sflag:s22] =	ssyncadd.s32 s3;
	_ =	sdelay $0x1  }
0xa1: {  	s23 =	simm.s32 $0x1B8B  }
0xa2: {  	_ =	swait.ge [sflag:s23], $0x1  }
0xa3: {  	[sflag:s23] =	ssyncset.done $0x0  }
0xa4: {  	s25 =	simm.s32 $0x1B8E;
	s24 =	sld [smem:$0x3FFE];
	[sflag:s23] =	ssyncadd.s32 $0xFFFFFFFF  }
0xa5: {  	s26 =	simm.s32 $execute0_lowered;
	[smem:$0x3FD2] =	sst s25  }
0xa6: {  	s4 =	sshll.u32 s26, $0x1;
	_ =	strace $0x80000046;
	[dreg:$0x1] =	wrdreg $0xFFFFFFFF  }
0xa7: {  	s28 =	simm.s32 $_size_execute0_lowered;
	s2 =	sadd.s32 s2, s4;
	[dreg:$0x0] =	wrdreg $0x0  }
0xa8: {  	s4 =	sshll.u32 s28, $0x1;
	[dreg:$0x2] =	wrdreg s2  }
0xa9: {  	[dreg:$0x3] =	wrdreg s4  }
0xaa: {  	[dreg:$0x4] =	wrdreg $0xC0  }
0xab: {  	_ =	task [dreg:s6], $0x5FFFF  }
0xac: {  	[dreg:$0x1] =	wrdreg $0xFFFFFFFF  }
0xad: {  	[dreg:$0x0] =	wrdreg $0x60  }
0xae: {  	[dreg:$0x2] =	wrdreg s24  }
0xaf: {  	[dreg:$0x3] =	wrdreg $0x9  }
0xb0: {  	_ =	task.clear_ibuf [dreg:s6], $0x4FFFF;
	_ =	strace $0x90000046  }
0xb1: {  	s29 =	simm.s32 $0x9;
	_ =	strace $0x80000048  }
0xb2: {  	_ =	swait.ge [sflag:s29], $0x1  }
0xb3: {  	[sflag:s29] =	ssyncadd.s32 $0xFFFFFFFF  }
0xb4: {  	_ =	strace $0x90000048  }
0xb5: {  	_ =	sfence  }
0xb6: {  	s30 =	sld [smem:$0x0];
	_ =	sdelay $0x2  }
0xb7: {  	s31 =	sshll.u32 s1, $0xD;
	s1 =	sshrl.u32 s1, $0x2  }
0xb8: {  	s3 =	sand.u32 $0x4000, s31;
	s1 =	sadd.s32 s1, s30  }
0xb9: {  	s0 =	sor.u32 s3, s0;
	s1 =	sshll.u32 s1, $0x11  }
0xba: {  	s0 =	sor.u32 s1, s0  }
0xbb: {  	s0 =	sadd.s32 $0x8F2B, s0  }
0xbc: {  	[sflag:s0] =	ssyncadd.remote.s32 $0x1  }
0xbd: {  	_ =	sfence.sel $0xFFFF  }
0xbe: {  	[dreg:$0x0] =	wrdreg $0xFFFFFFFF;
	(pc) =	sbr.abs _section_cstart, $3  }
0xbf: {  	[dreg:$0x1] =	wrdreg $0xFFFFFFFF  }
0xc0: {  	_ =	task.clear_ibuf [dreg:s6], $0x2FFFF;
	_ =	strace $0x9FFFFFFF  }
0xc1: {  	(tm) =	ssettm $0x7FFFFFFF  }
tec
execute0_lowered:
.L_overlay_start_1:
0x0: {  	(tag) =	ssettag $0x1  }
0x1: {  	s1 =	srdreg.scid;
	s0 =	stileid.u32  }
0x2: {  	s1 =	sand.u32 $0x1, s1;
	s2 =	sshll.u32 s0, $0x1  }
0x3: {  	s3 =	sor.u32 s1, s2  }
0x4: {  	s4 =	smul.u32 $0x680, s3  }
0x5: {  	s5 =	rddreg [dreg:$0x0];
	s2 =	simm.s32 $0x0;
	s6 =	smul.u32 $0xD000, s3  }
0x6: {  	[smem:$0x7FF] =	sst s2;
	s7 =	smul.u32 $0x68000, s3  }
0x7: {  	s16 =	sadd.s32 $0x9F9400, s5;
	_ =	strace $0x80000047;
	s15 =	sadd.s32 s4, s5  }
0x8: {  	s3 =	sadd.s32 s16, s6;
	s17 =	sshrl.u32 s7, $0x3;
	s8 =	sadd.s32 $0x1200, s15  }
0x9: {  	s18 =	sadd.s32 $0xD00, s3;
	s31 =	sadd.s32 s16, s17;
	[dreg:$0x2] =	wrdreg s8  }
0xa: {  	[dreg:$0x3] =	wrdreg s18;
	s4 =	sadd.s32 $0x1A00, s31  }
0xb: {  	s19 =	sadd.s32 $0x2700, s31;
	[dreg:$0x4] =	wrdreg s4  }
0xc: {  	s20 =	sadd.s32 $0x3400, s31;
	[dreg:$0x5] =	wrdreg s19  }
0xd: {  	s21 =	sadd.s32 $0x4100, s31;
	[dreg:$0x6] =	wrdreg s20  }
0xe: {  	s22 =	sadd.s32 $0x4E00, s31;
	[dreg:$0x7] =	wrdreg s21  }
0xf: {  	s23 =	sadd.s32 $0x5B00, s31;
	[dreg:$0x8] =	wrdreg s22  }
0x10: {  	[dreg:$0x9] =	wrdreg s23  }
0x11: {  	s24 =	sadd.s32 $0x6800, s31;
	s25 =	rddreg [dreg:$0x2]  }
0x12: {  	s26 =	sadd.s32 $0x7500, s31;
	[dreg:$0xa] =	wrdreg s24  }
0x13: {  	[dreg:$0xb] =	wrdreg s26;
	s4 =	simm.s32 $0x3  }
0x14: {  	[tilespmem:s2], [sflag:$0x3] =	stream.linear.gather [hbm4b:s25+s2], $0x3400, $0x38;
	[tilespmem:$0x10400] =	vst v63  }
0x15: {  	_ =	swait.ge [sflag:s4], $0x3400  }
0x16: {  	s5 =	sadd.s32 $0xE200, s5;
	[sflag:s4] =	ssyncset.done $0x0  }
0x17: {  	s6 =	simm.s32 $0x340;
	s7 =	simm.s32 $0x3400;
	[sflag:s4] =	ssyncadd.s32 $0xFFFFCC00  }
0x18: {  	[tilespmem:s7], [sflag:$0x1] =	stream.indirect.gather [hbm4b:s5+s6], $0x20, s2, s6, $0xb8;
	[tilespmem:$0x10400] =	vst v63  }
0x19: {  	s9 =	simm.s32 $0x1;
	s8 =	simm.s32 $0x9C00  }
0x1a: {  	[tilespmem:s8], [sflag:$0x2] =	stream.indirect.gather [hbm4b:s5+s6], $0x20, s6, s6, $0xb8;
	[tilespmem:$0x10400] =	vst v63  }
0x1b: {  	_ =	swait.ge [sflag:s9], $0x6800  }
0x1c: {  	[sflag:s9] =	ssyncset.done $0x0  }
0x1d: {  	[sflag:s9] =	ssyncadd.s32 $0xFFFF9800  }
0x1e: {  	[hbm4b:s3+s2] =	stream.linear.scatter [tilespmem:s7], [sflag:$0x3], $0x6800, $0x38;
	[tilespmem:$0x10400] =	vst v63  }
0x1f: {  	_ =	swait.ge [sflag:s4], $0x6800  }
0x20: {  	[sflag:s4] =	ssyncset.done $0x0  }
0x21: {  	s10 =	simm.s32 $0x680;
	s11 =	simm.s32 $0x2;
	[sflag:s4] =	ssyncadd.s32 $0xFFFF9800  }
0x22: {  	[tilespmem:s7], [sflag:$0x1] =	stream.indirect.gather [hbm4b:s5+s6], $0x20, s10, s6, $0xb8;
	[tilespmem:$0x10400] =	vst v63  }
0x23: {  	_ =	swait.ge [sflag:s11], $0x6800  }
0x24: {  	[sflag:s11] =	ssyncset.done $0x0  }
0x25: {  	s12 =	rddreg [dreg:$0x3];
	[sflag:s11] =	ssyncadd.s32 $0xFFFF9800  }
0x26: {  	[hbm4b:s12+s2] =	stream.linear.scatter [tilespmem:s8], [sflag:$0x3], $0x6800, $0x38;
	[tilespmem:$0x10400] =	vst v63  }
0x27: {  	_ =	swait.ge [sflag:s4], $0x6800  }
0x28: {  	[sflag:s4] =	ssyncset.done $0x0  }
0x29: {  	s12 =	simm.s32 $0x9C0;
	[sflag:s4] =	ssyncadd.s32 $0xFFFF9800  }
0x2a: {  	[tilespmem:s8], [sflag:$0x2] =	stream.indirect.gather [hbm4b:s5+s6], $0x20, s12, s6, $0xb8;
	[tilespmem:$0x10400] =	vst v63  }
0x2b: {  	_ =	swait.ge [sflag:s9], $0x6800  }
0x2c: {  	[sflag:s9] =	ssyncset.done $0x0  }
0x2d: {  	s13 =	rddreg [dreg:$0x4];
	[sflag:s9] =	ssyncadd.s32 $0xFFFF9800  }
0x2e: {  	[hbm4b:s13+s2] =	stream.linear.scatter [tilespmem:s7], [sflag:$0x3], $0x6800, $0x38;
	[tilespmem:$0x10400] =	vst v63  }
0x2f: {  	_ =	swait.ge [sflag:s4], $0x6800  }
0x30: {  	[sflag:s4] =	ssyncset.done $0x0  }
0x31: {  	s13 =	simm.s32 $0xD00;
	[sflag:s4] =	ssyncadd.s32 $0xFFFF9800  }
0x32: {  	[tilespmem:s7], [sflag:$0x1] =	stream.indirect.gather [hbm4b:s5+s6], $0x20, s13, s6, $0xb8;
	[tilespmem:$0x10400] =	vst v63  }
0x33: {  	_ =	swait.ge [sflag:s11], $0x6800  }
0x34: {  	[sflag:s11] =	ssyncset.done $0x0  }
0x35: {  	s14 =	rddreg [dreg:$0x5];
	[sflag:s11] =	ssyncadd.s32 $0xFFFF9800  }
0x36: {  	[hbm4b:s14+s2] =	stream.linear.scatter [tilespmem:s8], [sflag:$0x3], $0x6800, $0x38;
	[tilespmem:$0x10400] =	vst v63  }
0x37: {  	_ =	swait.ge [sflag:s4], $0x6800  }
0x38: {  	[sflag:s4] =	ssyncset.done $0x0  }
0x39: {  	s14 =	simm.s32 $0x1040;
	[sflag:s4] =	ssyncadd.s32 $0xFFFF9800  }
0x3a: {  	[tilespmem:s8], [sflag:$0x2] =	stream.indirect.gather [hbm4b:s5+s6], $0x20, s14, s6, $0xb8;
	[tilespmem:$0x10400] =	vst v63  }
0x3b: {  	_ =	swait.ge [sflag:s9], $0x6800  }
0x3c: {  	[sflag:s9] =	ssyncset.done $0x0  }
0x3d: {  	s15 =	rddreg [dreg:$0x6];
	[sflag:s9] =	ssyncadd.s32 $0xFFFF9800  }
0x3e: {  	[hbm4b:s15+s2] =	stream.linear.scatter [tilespmem:s7], [sflag:$0x3], $0x6800, $0x38;
	[tilespmem:$0x10400] =	vst v63  }
0x3f: {  	_ =	swait.ge [sflag:s4], $0x6800  }
0x40: {  	[sflag:s4] =	ssyncset.done $0x0  }
0x41: {  	s15 =	simm.s32 $0x1380;
	[sflag:s4] =	ssyncadd.s32 $0xFFFF9800  }
0x42: {  	[tilespmem:s7], [sflag:$0x1] =	stream.indirect.gather [hbm4b:s5+s6], $0x20, s15, s6, $0xb8;
	[tilespmem:$0x10400] =	vst v63  }
0x43: {  	_ =	swait.ge [sflag:s11], $0x6800  }
0x44: {  	[sflag:s11] =	ssyncset.done $0x0  }
0x45: {  	s16 =	rddreg [dreg:$0x7];
	[sflag:s11] =	ssyncadd.s32 $0xFFFF9800  }
0x46: {  	[hbm4b:s16+s2] =	stream.linear.scatter [tilespmem:s8], [sflag:$0x3], $0x6800, $0x38;
	[tilespmem:$0x10400] =	vst v63  }
0x47: {  	_ =	swait.ge [sflag:s4], $0x6800  }
0x48: {  	[sflag:s4] =	ssyncset.done $0x0  }
0x49: {  	s16 =	simm.s32 $0x16C0;
	[sflag:s4] =	ssyncadd.s32 $0xFFFF9800  }
0x4a: {  	[tilespmem:s8], [sflag:$0x2] =	stream.indirect.gather [hbm4b:s5+s6], $0x20, s16, s6, $0xb8;
	[tilespmem:$0x10400] =	vst v63  }
0x4b: {  	_ =	swait.ge [sflag:s9], $0x6800  }
0x4c: {  	[sflag:s9] =	ssyncset.done $0x0  }
0x4d: {  	s17 =	rddreg [dreg:$0x8];
	[sflag:s9] =	ssyncadd.s32 $0xFFFF9800  }
0x4e: {  	[hbm4b:s17+s2] =	stream.linear.scatter [tilespmem:s7], [sflag:$0x3], $0x6800, $0x38;
	[tilespmem:$0x10400] =	vst v63  }
0x4f: {  	_ =	swait.ge [sflag:s4], $0x6800  }
0x50: {  	[sflag:s4] =	ssyncset.done $0x0  }
0x51: {  	s17 =	simm.s32 $0x1A00;
	[sflag:s4] =	ssyncadd.s32 $0xFFFF9800  }
0x52: {  	[tilespmem:s7], [sflag:$0x1] =	stream.indirect.gather [hbm4b:s5+s6], $0x20, s17, s6, $0xb8;
	[tilespmem:$0x10400] =	vst v63  }
0x53: {  	_ =	swait.ge [sflag:s11], $0x6800  }
0x54: {  	[sflag:s11] =	ssyncset.done $0x0  }
0x55: {  	s18 =	rddreg [dreg:$0x9];
	[sflag:s11] =	ssyncadd.s32 $0xFFFF9800  }
0x56: {  	[hbm4b:s18+s2] =	stream.linear.scatter [tilespmem:s8], [sflag:$0x3], $0x6800, $0x38;
	[tilespmem:$0x10400] =	vst v63  }
0x57: {  	_ =	swait.ge [sflag:s4], $0x6800  }
0x58: {  	[sflag:s4] =	ssyncset.done $0x0  }
0x59: {  	s18 =	simm.s32 $0x1D40;
	[sflag:s4] =	ssyncadd.s32 $0xFFFF9800  }
0x5a: {  	[tilespmem:s8], [sflag:$0x2] =	stream.indirect.gather [hbm4b:s5+s6], $0x20, s18, s6, $0xb8;
	[tilespmem:$0x10400] =	vst v63  }
0x5b: {  	_ =	swait.ge [sflag:s9], $0x6800  }
0x5c: {  	[sflag:s9] =	ssyncset.done $0x0  }
0x5d: {  	s19 =	rddreg [dreg:$0xa];
	[sflag:s9] =	ssyncadd.s32 $0xFFFF9800  }
0x5e: {  	[hbm4b:s19+s2] =	stream.linear.scatter [tilespmem:s7], [sflag:$0x3], $0x6800, $0x38;
	[tilespmem:$0x10400] =	vst v63  }
0x5f: {  	_ =	swait.ge [sflag:s4], $0x6800  }
0x60: {  	[sflag:s4] =	ssyncset.done $0x0  }
0x61: {  	s19 =	simm.s32 $0x2080;
	[sflag:s4] =	ssyncadd.s32 $0xFFFF9800  }
0x62: {  	[tilespmem:s7], [sflag:$0x1] =	stream.indirect.gather [hbm4b:s5+s6], $0x20, s19, s6, $0xb8;
	[tilespmem:$0x10400] =	vst v63  }
0x63: {  	_ =	swait.ge [sflag:s11], $0x6800  }
0x64: {  	[sflag:s11] =	ssyncset.done $0x0  }
0x65: {  	s20 =	rddreg [dreg:$0xb];
	[sflag:s11] =	ssyncadd.s32 $0xFFFF9800  }
0x66: {  	[hbm4b:s20+s2] =	stream.linear.scatter [tilespmem:s8], [sflag:$0x3], $0x6800, $0x38;
	[tilespmem:$0x10400] =	vst v63  }
0x67: {  	_ =	swait.ge [sflag:s4], $0x6800  }
0x68: {  	[sflag:s4] =	ssyncset.done $0x0  }
0x69: {  	s20 =	simm.s32 $0x23C0;
	[sflag:s4] =	ssyncadd.s32 $0xFFFF9800  }
0x6a: {  	[tilespmem:s8], [sflag:$0x2] =	stream.indirect.gather [hbm4b:s5+s6], $0x20, s20, s6, $0xb8;
	[tilespmem:$0x10400] =	vst v63  }
0x6b: {  	_ =	swait.ge [sflag:s9], $0x6800  }
0x6c: {  	[sflag:s9] =	ssyncset.done $0x0  }
0x6d: {  	s21 =	sadd.s32 $0x8200, s31;
	[sflag:s9] =	ssyncadd.s32 $0xFFFF9800  }
0x6e: {  	[hbm4b:s21+s2] =	stream.linear.scatter [tilespmem:s7], [sflag:$0x3], $0x6800, $0x38;
	[tilespmem:$0x10400] =	vst v63  }
0x6f: {  	_ =	swait.ge [sflag:s4], $0x6800  }
0x70: {  	[sflag:s4] =	ssyncset.done $0x0  }
0x71: {  	s22 =	simm.s32 $0x2700;
	[sflag:s4] =	ssyncadd.s32 $0xFFFF9800  }
0x72: {  	[tilespmem:s7], [sflag:$0x1] =	stream.indirect.gather [hbm4b:s5+s6], $0x20, s22, s6, $0xb8;
	[tilespmem:$0x10400] =	vst v63  }
0x73: {  	_ =	swait.ge [sflag:s11], $0x6800  }
0x74: {  	[sflag:s11] =	ssyncset.done $0x0  }
0x75: {  	s23 =	sadd.s32 $0x8F00, s31;
	[sflag:s11] =	ssyncadd.s32 $0xFFFF9800  }
0x76: {  	[hbm4b:s23+s2] =	stream.linear.scatter [tilespmem:s8], [sflag:$0x3], $0x6800, $0x38;
	[tilespmem:$0x10400] =	vst v63  }
0x77: {  	_ =	swait.ge [sflag:s4], $0x6800  }
0x78: {  	[sflag:s4] =	ssyncset.done $0x0  }
0x79: {  	s24 =	simm.s32 $0x2A40;
	[sflag:s4] =	ssyncadd.s32 $0xFFFF9800  }
0x7a: {  	[tilespmem:s8], [sflag:$0x2] =	stream.indirect.gather [hbm4b:s5+s6], $0x20, s24, s6, $0xb8;
	[tilespmem:$0x10400] =	vst v63  }
0x7b: {  	_ =	swait.ge [sflag:s9], $0x6800  }
0x7c: {  	[sflag:s9] =	ssyncset.done $0x0  }
0x7d: {  	s25 =	sadd.s32 $0x9C00, s31;
	[sflag:s9] =	ssyncadd.s32 $0xFFFF9800  }
0x7e: {  	[hbm4b:s25+s2] =	stream.linear.scatter [tilespmem:s7], [sflag:$0x3], $0x6800, $0x38;
	[tilespmem:$0x10400] =	vst v63  }
0x7f: {  	_ =	swait.ge [sflag:s4], $0x6800  }
0x80: {  	[sflag:s4] =	ssyncset.done $0x0  }
0x81: {  	s26 =	simm.s32 $0x2D80;
	[sflag:s4] =	ssyncadd.s32 $0xFFFF9800  }
0x82: {  	[tilespmem:s7], [sflag:$0x1] =	stream.indirect.gather [hbm4b:s5+s6], $0x20, s26, s6, $0xb8;
	[tilespmem:$0x10400] =	vst v63  }
0x83: {  	_ =	swait.ge [sflag:s11], $0x6800  }
0x84: {  	[sflag:s11] =	ssyncset.done $0x0  }
0x85: {  	s28 =	sadd.s32 $0xA900, s31;
	[sflag:s11] =	ssyncadd.s32 $0xFFFF9800  }
0x86: {  	[hbm4b:s28+s2] =	stream.linear.scatter [tilespmem:s8], [sflag:$0x3], $0x6800, $0x38;
	[tilespmem:$0x10400] =	vst v63  }
0x87: {  	_ =	swait.ge [sflag:s4], $0x6800  }
0x88: {  	[sflag:s4] =	ssyncset.done $0x0  }
0x89: {  	s29 =	simm.s32 $0x30C0;
	[sflag:s4] =	ssyncadd.s32 $0xFFFF9800  }
0x8a: {  	[tilespmem:s8], [sflag:$0x2] =	stream.indirect.gather [hbm4b:s5+s6], $0x20, s29, s6, $0xb8;
	[tilespmem:$0x10400] =	vst v63  }
0x8b: {  	_ =	swait.ge [sflag:s9], $0x6800  }
0x8c: {  	s1 =	ssub.s32 $0x2, s1;
	[sflag:s9] =	ssyncset.done $0x0  }
0x8d: {  	s0 =	sshrl.u32 s1, $0x1;
	s30 =	sadd.s32 $0xB600, s31;
	[sflag:s9] =	ssyncadd.s32 $0xFFFF9800  }
0x8e: {  	[hbm4b:s30+s2] =	stream.linear.scatter [tilespmem:s7], [sflag:$0x3], $0x6800, $0x38;
	[tilespmem:$0x10400] =	vst v63  }
0x8f: {  	s0 =	ssub.s32 s1, s0;
	_ =	swait.ge [sflag:s4], $0x6800  }
0x90: {  	s0 =	smax.u32 s0, $0x1;
	[sflag:s4] =	ssyncset.done $0x0  }
0x91: {  	p0 =	sne.s32 s0, $0x1;
	[sflag:s4] =	ssyncadd.s32 $0xFFFF9800  }
.Ltmp0:
0x92: {  	_ =	swait.ge [sflag:s11], $0x6800;
	(pc) =	sbr.rel @!p0 .LBB2_2-.Ltmp0, $4  }
0x93: {  	[sflag:s11] =	ssyncset.done $0x0  }
0x94: {  	s31 =	sadd.s32 $0xC300, s31;
	[sflag:s11] =	ssyncadd.s32 $0xFFFF9800  }
0x95: {  	[hbm4b:s31+s2] =	stream.linear.scatter [tilespmem:s8], [sflag:$0x3], $0x6800, $0x38;
	[tilespmem:$0x10400] =	vst v63  }
0x96: {  	s1 =	sadd.s32 $0xFFFFFFFF, s0;
	_ =	swait.ge [sflag:s4], $0x6800  }
.LBB2_1:
0x97: {  	[sflag:s4] =	ssyncset.done $0x0  }
0x98: {  	s0 =	rddreg [dreg:$0x2];
	[sflag:s4] =	ssyncadd.s32 $0xFFFF9800  }
0x99: {  	[tilespmem:s2], [sflag:$0x3] =	stream.linear.gather [hbm4b:s0+s2], $0x3400, $0x38;
	[tilespmem:$0x10400] =	vst v63  }
0x9a: {  	_ =	swait.ge [sflag:s4], $0x3400  }
0x9b: {  	[sflag:s4] =	ssyncset.done $0x0  }
0x9c: {  	[sflag:s4] =	ssyncadd.s32 $0xFFFFCC00  }
0x9d: {  	[tilespmem:s7], [sflag:$0x1] =	stream.indirect.gather [hbm4b:s5+s6], $0x20, s2, s6, $0xb8;
	[tilespmem:$0x10400] =	vst v63  }
0x9e: {  	_ = 	snop  }
0x9f: {  	[tilespmem:s8], [sflag:$0x2] =	stream.indirect.gather [hbm4b:s5+s6], $0x20, s6, s6, $0xb8;
	[tilespmem:$0x10400] =	vst v63  }
0xa0: {  	_ =	swait.ge [sflag:s9], $0x6800  }
0xa1: {  	[sflag:s9] =	ssyncset.done $0x0  }
0xa2: {  	[sflag:s9] =	ssyncadd.s32 $0xFFFF9800  }
0xa3: {  	[hbm4b:s3+s2] =	stream.linear.scatter [tilespmem:s7], [sflag:$0x3], $0x6800, $0x38;
	[tilespmem:$0x10400] =	vst v63  }
0xa4: {  	_ =	swait.ge [sflag:s4], $0x6800  }
0xa5: {  	[sflag:s4] =	ssyncset.done $0x0  }
0xa6: {  	[sflag:s4] =	ssyncadd.s32 $0xFFFF9800  }
0xa7: {  	[tilespmem:s7], [sflag:$0x1] =	stream.indirect.gather [hbm4b:s5+s6], $0x20, s10, s6, $0xb8;
	[tilespmem:$0x10400] =	vst v63  }
0xa8: {  	_ =	swait.ge [sflag:s11], $0x6800  }
0xa9: {  	[sflag:s11] =	ssyncset.done $0x0  }
0xaa: {  	s0 =	rddreg [dreg:$0x3];
	[sflag:s11] =	ssyncadd.s32 $0xFFFF9800  }
0xab: {  	[hbm4b:s0+s2] =	stream.linear.scatter [tilespmem:s8], [sflag:$0x3], $0x6800, $0x38;
	[tilespmem:$0x10400] =	vst v63  }
0xac: {  	_ =	swait.ge [sflag:s4], $0x6800  }
0xad: {  	[sflag:s4] =	ssyncset.done $0x0  }
0xae: {  	[sflag:s4] =	ssyncadd.s32 $0xFFFF9800  }
0xaf: {  	[tilespmem:s8], [sflag:$0x2] =	stream.indirect.gather [hbm4b:s5+s6], $0x20, s12, s6, $0xb8;
	[tilespmem:$0x10400] =	vst v63  }
0xb0: {  	_ =	swait.ge [sflag:s9], $0x6800  }
0xb1: {  	[sflag:s9] =	ssyncset.done $0x0  }
0xb2: {  	s0 =	rddreg [dreg:$0x4];
	[sflag:s9] =	ssyncadd.s32 $0xFFFF9800  }
0xb3: {  	[hbm4b:s0+s2] =	stream.linear.scatter [tilespmem:s7], [sflag:$0x3], $0x6800, $0x38;
	[tilespmem:$0x10400] =	vst v63  }
0xb4: {  	_ =	swait.ge [sflag:s4], $0x6800  }
0xb5: {  	[sflag:s4] =	ssyncset.done $0x0  }
0xb6: {  	[sflag:s4] =	ssyncadd.s32 $0xFFFF9800  }
0xb7: {  	[tilespmem:s7], [sflag:$0x1] =	stream.indirect.gather [hbm4b:s5+s6], $0x20, s13, s6, $0xb8;
	[tilespmem:$0x10400] =	vst v63  }
0xb8: {  	_ =	swait.ge [sflag:s11], $0x6800  }
0xb9: {  	[sflag:s11] =	ssyncset.done $0x0  }
0xba: {  	s0 =	rddreg [dreg:$0x5];
	[sflag:s11] =	ssyncadd.s32 $0xFFFF9800  }
0xbb: {  	[hbm4b:s0+s2] =	stream.linear.scatter [tilespmem:s8], [sflag:$0x3], $0x6800, $0x38;
	[tilespmem:$0x10400] =	vst v63  }
0xbc: {  	_ =	swait.ge [sflag:s4], $0x6800  }
0xbd: {  	[sflag:s4] =	ssyncset.done $0x0  }
0xbe: {  	[sflag:s4] =	ssyncadd.s32 $0xFFFF9800  }
0xbf: {  	[tilespmem:s8], [sflag:$0x2] =	stream.indirect.gather [hbm4b:s5+s6], $0x20, s14, s6, $0xb8;
	[tilespmem:$0x10400] =	vst v63  }
0xc0: {  	_ =	swait.ge [sflag:s9], $0x6800  }
0xc1: {  	[sflag:s9] =	ssyncset.done $0x0  }
0xc2: {  	s0 =	rddreg [dreg:$0x6];
	[sflag:s9] =	ssyncadd.s32 $0xFFFF9800  }
0xc3: {  	[hbm4b:s0+s2] =	stream.linear.scatter [tilespmem:s7], [sflag:$0x3], $0x6800, $0x38;
	[tilespmem:$0x10400] =	vst v63  }
0xc4: {  	_ =	swait.ge [sflag:s4], $0x6800  }
0xc5: {  	[sflag:s4] =	ssyncset.done $0x0  }
0xc6: {  	[sflag:s4] =	ssyncadd.s32 $0xFFFF9800  }
0xc7: {  	[tilespmem:s7], [sflag:$0x1] =	stream.indirect.gather [hbm4b:s5+s6], $0x20, s15, s6, $0xb8;
	[tilespmem:$0x10400] =	vst v63  }
0xc8: {  	_ =	swait.ge [sflag:s11], $0x6800  }
0xc9: {  	[sflag:s11] =	ssyncset.done $0x0  }
0xca: {  	s0 =	rddreg [dreg:$0x7];
	[sflag:s11] =	ssyncadd.s32 $0xFFFF9800  }
0xcb: {  	[hbm4b:s0+s2] =	stream.linear.scatter [tilespmem:s8], [sflag:$0x3], $0x6800, $0x38;
	[tilespmem:$0x10400] =	vst v63  }
0xcc: {  	_ =	swait.ge [sflag:s4], $0x6800  }
0xcd: {  	[sflag:s4] =	ssyncset.done $0x0  }
0xce: {  	[sflag:s4] =	ssyncadd.s32 $0xFFFF9800  }
0xcf: {  	[tilespmem:s8], [sflag:$0x2] =	stream.indirect.gather [hbm4b:s5+s6], $0x20, s16, s6, $0xb8;
	[tilespmem:$0x10400] =	vst v63  }
0xd0: {  	_ =	swait.ge [sflag:s9], $0x6800  }
0xd1: {  	[sflag:s9] =	ssyncset.done $0x0  }
0xd2: {  	s0 =	rddreg [dreg:$0x8];
	[sflag:s9] =	ssyncadd.s32 $0xFFFF9800  }
0xd3: {  	[hbm4b:s0+s2] =	stream.linear.scatter [tilespmem:s7], [sflag:$0x3], $0x6800, $0x38;
	[tilespmem:$0x10400] =	vst v63  }
0xd4: {  	_ =	swait.ge [sflag:s4], $0x6800  }
0xd5: {  	[sflag:s4] =	ssyncset.done $0x0  }
0xd6: {  	[sflag:s4] =	ssyncadd.s32 $0xFFFF9800  }
0xd7: {  	[tilespmem:s7], [sflag:$0x1] =	stream.indirect.gather [hbm4b:s5+s6], $0x20, s17, s6, $0xb8;
	[tilespmem:$0x10400] =	vst v63  }
0xd8: {  	_ =	swait.ge [sflag:s11], $0x6800  }
0xd9: {  	[sflag:s11] =	ssyncset.done $0x0  }
0xda: {  	s0 =	rddreg [dreg:$0x9];
	[sflag:s11] =	ssyncadd.s32 $0xFFFF9800  }
0xdb: {  	[hbm4b:s0+s2] =	stream.linear.scatter [tilespmem:s8], [sflag:$0x3], $0x6800, $0x38;
	[tilespmem:$0x10400] =	vst v63  }
0xdc: {  	_ =	swait.ge [sflag:s4], $0x6800  }
0xdd: {  	[sflag:s4] =	ssyncset.done $0x0  }
0xde: {  	[sflag:s4] =	ssyncadd.s32 $0xFFFF9800  }
0xdf: {  	[tilespmem:s8], [sflag:$0x2] =	stream.indirect.gather [hbm4b:s5+s6], $0x20, s18, s6, $0xb8;
	[tilespmem:$0x10400] =	vst v63  }
0xe0: {  	_ =	swait.ge [sflag:s9], $0x6800  }
0xe1: {  	[sflag:s9] =	ssyncset.done $0x0  }
0xe2: {  	s0 =	rddreg [dreg:$0xa];
	[sflag:s9] =	ssyncadd.s32 $0xFFFF9800  }
0xe3: {  	[hbm4b:s0+s2] =	stream.linear.scatter [tilespmem:s7], [sflag:$0x3], $0x6800, $0x38;
	[tilespmem:$0x10400] =	vst v63  }
0xe4: {  	_ =	swait.ge [sflag:s4], $0x6800  }
0xe5: {  	[sflag:s4] =	ssyncset.done $0x0  }
0xe6: {  	[sflag:s4] =	ssyncadd.s32 $0xFFFF9800  }
0xe7: {  	[tilespmem:s7], [sflag:$0x1] =	stream.indirect.gather [hbm4b:s5+s6], $0x20, s19, s6, $0xb8;
	[tilespmem:$0x10400] =	vst v63  }
0xe8: {  	_ =	swait.ge [sflag:s11], $0x6800  }
0xe9: {  	[sflag:s11] =	ssyncset.done $0x0  }
0xea: {  	s0 =	rddreg [dreg:$0xb];
	[sflag:s11] =	ssyncadd.s32 $0xFFFF9800  }
0xeb: {  	[hbm4b:s0+s2] =	stream.linear.scatter [tilespmem:s8], [sflag:$0x3], $0x6800, $0x38;
	[tilespmem:$0x10400] =	vst v63  }
0xec: {  	_ =	swait.ge [sflag:s4], $0x6800  }
0xed: {  	[sflag:s4] =	ssyncset.done $0x0  }
0xee: {  	[sflag:s4] =	ssyncadd.s32 $0xFFFF9800  }
0xef: {  	[tilespmem:s8], [sflag:$0x2] =	stream.indirect.gather [hbm4b:s5+s6], $0x20, s20, s6, $0xb8;
	[tilespmem:$0x10400] =	vst v63  }
0xf0: {  	_ =	swait.ge [sflag:s9], $0x6800  }
0xf1: {  	[sflag:s9] =	ssyncset.done $0x0  }
0xf2: {  	[sflag:s9] =	ssyncadd.s32 $0xFFFF9800  }
0xf3: {  	[hbm4b:s21+s2] =	stream.linear.scatter [tilespmem:s7], [sflag:$0x3], $0x6800, $0x38;
	[tilespmem:$0x10400] =	vst v63  }
0xf4: {  	_ =	swait.ge [sflag:s4], $0x6800  }
0xf5: {  	[sflag:s4] =	ssyncset.done $0x0  }
0xf6: {  	[sflag:s4] =	ssyncadd.s32 $0xFFFF9800  }
0xf7: {  	[tilespmem:s7], [sflag:$0x1] =	stream.indirect.gather [hbm4b:s5+s6], $0x20, s22, s6, $0xb8;
	[tilespmem:$0x10400] =	vst v63  }
0xf8: {  	_ =	swait.ge [sflag:s11], $0x6800  }
0xf9: {  	[sflag:s11] =	ssyncset.done $0x0  }
0xfa: {  	[sflag:s11] =	ssyncadd.s32 $0xFFFF9800  }
0xfb: {  	[hbm4b:s23+s2] =	stream.linear.scatter [tilespmem:s8], [sflag:$0x3], $0x6800, $0x38;
	[tilespmem:$0x10400] =	vst v63  }
0xfc: {  	_ =	swait.ge [sflag:s4], $0x6800  }
0xfd: {  	[sflag:s4] =	ssyncset.done $0x0  }
0xfe: {  	[sflag:s4] =	ssyncadd.s32 $0xFFFF9800  }
0xff: {  	[tilespmem:s8], [sflag:$0x2] =	stream.indirect.gather [hbm4b:s5+s6], $0x20, s24, s6, $0xb8;
	[tilespmem:$0x10400] =	vst v63  }
0x100: {  	_ =	swait.ge [sflag:s9], $0x6800  }
0x101: {  	[sflag:s9] =	ssyncset.done $0x0  }
0x102: {  	[sflag:s9] =	ssyncadd.s32 $0xFFFF9800  }
0x103: {  	[hbm4b:s25+s2] =	stream.linear.scatter [tilespmem:s7], [sflag:$0x3], $0x6800, $0x38;
	[tilespmem:$0x10400] =	vst v63  }
0x104: {  	_ =	swait.ge [sflag:s4], $0x6800  }
0x105: {  	[sflag:s4] =	ssyncset.done $0x0  }
0x106: {  	[sflag:s4] =	ssyncadd.s32 $0xFFFF9800  }
0x107: {  	[tilespmem:s7], [sflag:$0x1] =	stream.indirect.gather [hbm4b:s5+s6], $0x20, s26, s6, $0xb8;
	[tilespmem:$0x10400] =	vst v63  }
0x108: {  	_ =	swait.ge [sflag:s11], $0x6800  }
0x109: {  	[sflag:s11] =	ssyncset.done $0x0  }
0x10a: {  	[sflag:s11] =	ssyncadd.s32 $0xFFFF9800  }
0x10b: {  	[hbm4b:s28+s2] =	stream.linear.scatter [tilespmem:s8], [sflag:$0x3], $0x6800, $0x38;
	[tilespmem:$0x10400] =	vst v63  }
0x10c: {  	_ =	swait.ge [sflag:s4], $0x6800  }
0x10d: {  	[sflag:s4] =	ssyncset.done $0x0  }
0x10e: {  	[sflag:s4] =	ssyncadd.s32 $0xFFFF9800  }
0x10f: {  	[tilespmem:s8], [sflag:$0x2] =	stream.indirect.gather [hbm4b:s5+s6], $0x20, s29, s6, $0xb8;
	[tilespmem:$0x10400] =	vst v63  }
0x110: {  	_ =	swait.ge [sflag:s9], $0x6800  }
0x111: {  	[sflag:s9] =	ssyncset.done $0x0  }
0x112: {  	[sflag:s9] =	ssyncadd.s32 $0xFFFF9800  }
0x113: {  	[hbm4b:s30+s2] =	stream.linear.scatter [tilespmem:s7], [sflag:$0x3], $0x6800, $0x38;
	[tilespmem:$0x10400] =	vst v63  }
0x114: {  	_ =	swait.ge [sflag:s4], $0x6800  }
0x115: {  	[sflag:s4] =	ssyncset.done $0x0  }
0x116: {  	p0 =	sne.s32 s1, $0x1;
	[sflag:s4] =	ssyncadd.s32 $0xFFFF9800  }
.Ltmp1:
0x117: {  	_ =	swait.ge [sflag:s11], $0x6800;
	(pc) =	sbr.rel @p0 .LBB2_1-.Ltmp1, $4  }
0x118: {  	[sflag:s11] =	ssyncset.done $0x0  }
0x119: {  	[sflag:s11] =	ssyncadd.s32 $0xFFFF9800  }
0x11a: {  	[hbm4b:s31+s2] =	stream.linear.scatter [tilespmem:s8], [sflag:$0x3], $0x6800, $0x38;
	[tilespmem:$0x10400] =	vst v63  }
0x11b: {  	s1 =	sadd.s32 $0xFFFFFFFF, s1;
	_ =	swait.ge [sflag:s4], $0x6800  }
.LBB2_2:
0x11c: {  	[sflag:s4] =	ssyncset.done $0x0  }
0x11d: {  	[sflag:s4] =	ssyncadd.s32 $0xFFFF9800  }
0x11e: {  	_ =	sfence.sel $0x180000  }
0x11f: {  	[bflag:$0x0] =	sbarrier.arrive $0xFFFF  }
0x120: {  	_ =	strace $0x90000047  }
0x121: {  	s0 =	stileid.u32;
	[bflag:$0x2] =	sbarrier.arrive $0xFFFF  }
0x122: {  	p0 =	sne.s32 s0, $0x0;
	s0 =	rddreg [dreg:$0x1]  }
0x123: {  	s0 =	sadd.s32 @!p0 $0x100000, s0  }
0x124: {  	[sflag:s0] =	ssyncadd.tile.s32 @!p0 $0x1;
	_ =	shalt  }
.Lfunc_end2:
_tile_overlayer_lowered:
.L_overlay_start_2:
0x125: {  	(tag) =	ssettag $0x2  }
0x126: {  	s0 =	rddreg [dreg:$0x0];
	s2 =	stileid.u32  }
0x127: {  	s1 =	rddreg [dreg:$0x1];
	p0 =	sne.s32 s2, $0x0  }
0x128: {  	s3 =	rddreg [dreg:$0x2];
	[bflag:$0x3] =	sbarrier.arrive $0xFFFF;
	s2 =	simm.s32 @!p0 $0x1C03  }
0x129: {  	[timem:s3], [sflag:s2] =	dma.local @!p0 [hbm:s0], s1  }
0x12a: {  	s0 =	simm.s32 @!p0 $0x3  }
0x12b: {  	_ =	swait.ge @!p0 [sflag:s0], s1  }
0x12c: {  	s1 =	ssub.s32 @!p0 $0x0, s1;
	[sflag:s0] =	ssyncset.done @!p0 $0x0  }
0x12d: {  	[sflag:s0] =	ssyncadd.s32 @!p0 s1  }
0x12e: {  	[bflag:$0x3] =	sbarrier.arrive $0xFFFF  }
0x12f: {  	_ =	shalt  }

</sc_bundles>
